<compile_context>
chip_gen: v7x
topology: tpu7x:2x2x1
jax: 0.10.2.dev20260603
libtpu: 0.0.44.dev20260713+nightly
codegen_flags: <defaults>
</compile_context>

<pallas_src>
import functools

import jax
import jax.numpy as jnp
from jax import lax
from jax.experimental import pallas as pl
from jax.experimental.pallas import tpu as pltpu
from jax.experimental.pallas import tpu_sc as plsc

_BATCH = 16384
_COND = 128


def kernel(labels, embedding_table):
    info = plsc.get_sparse_core_info()
    nw = info.num_cores * info.num_subcores
    b_per_w = _BATCH // nw

    mesh = plsc.VectorSubcoreMesh(core_axis_name="c", subcore_axis_name="s")

    n_chunks = 16
    chunk = b_per_w // n_chunks

    @functools.partial(
        pl.kernel,
        mesh=mesh,
        out_type=jax.ShapeDtypeStruct((_BATCH, _COND), jnp.float32),
        scratch_types=[
            pltpu.VMEM((b_per_w,), jnp.int32),
            pltpu.VMEM((b_per_w, _COND), jnp.float32),
            pltpu.VMEM_SHARED((1001, _COND), jnp.float32),
            pltpu.SemaphoreType.DMA((n_chunks,)),
            pltpu.SemaphoreType.DMA,
            pltpu.SemaphoreType.DMA,
        ],
    )
    def emb(labels_hbm, table_hbm, out_hbm, idx_v, bufs, table_sp, gsems, wsem, isem):
        wid = lax.axis_index("s") * info.num_cores + lax.axis_index("c")
        base = wid * b_per_w
        sid = lax.axis_index("s")

        idx_cp = pltpu.async_copy(labels_hbm.at[pl.ds(base, b_per_w)], idx_v, isem)

        @pl.when(sid < 15)
        def _stage_table():
            pltpu.sync_copy(
                table_hbm.at[pl.ds(sid * 64, 64)], table_sp.at[pl.ds(sid * 64, 64)]
            )

        @pl.when(sid == 15)
        def _stage_table_tail():
            pltpu.sync_copy(table_hbm.at[pl.ds(960, 41)], table_sp.at[pl.ds(960, 41)])

        idx_cp.wait()
        plsc.subcore_barrier()
        gathers = [
            pltpu.async_copy(
                table_sp.at[idx_v.at[pl.ds(c * chunk, chunk)]],
                bufs.at[pl.ds(c * chunk, chunk)],
                gsems.at[c],
            )
            for c in range(n_chunks)
        ]
        writes = []
        for c in range(n_chunks):
            gathers[c].wait()
            writes.append(
                pltpu.async_copy(
                    bufs.at[pl.ds(c * chunk, chunk)],
                    out_hbm.at[pl.ds(base + c * chunk, chunk)],
                    wsem,
                )
            )
        for w in writes:
            w.wait()

    return emb(labels.astype(jnp.int32), embedding_table)

# --- scband reference (transcript-rebuilt; emitter-appended) ---
"""Pipeline reference for scband-label-embedder-69320772157538 (READ-ONLY COPY).

The authoritative reference and input builder live on the scoring server;
editing this copy changes nothing except your own understanding.
"""

import jax, jax.numpy as jnp
import numpy as np

NUM_CLASSES = 1000
COND_SIZE = 128
BATCH = 16384

def setup_inputs(seed: int = 0) -> dict:
    key = jax.random.key(seed)
    k_lab, k_tab = jax.random.split(key)
    labels = jax.random.randint(k_lab, (BATCH,), 0, NUM_CLASSES + 1, dtype=jnp.int64 if jax.config.jax_enable_x64 else jnp.int32)
    # nn.Embedding default init: N(0, 1)
    embedding_table = jax.random.normal(k_tab, (NUM_CLASSES + 1, COND_SIZE), dtype=jnp.float32)
    return {"labels": labels, "embedding_table": embedding_table}

def reference(labels, embedding_table):
    # embeddings = self.embedding_table(labels)
    embeddings = jnp.take(embedding_table, labels, axis=0)
    return embeddings

if __name__ == "__main__":
    import jax
    _d = setup_inputs()
    print(jax.jit(kernel)(*tuple(_d.values())))

</pallas_src>

<mosaic_0001>
#map = affine_map<(d0, d1) -> (0)>
#map1 = affine_map<(d0, d1) -> (0, 0)>
module attributes {stable_mosaic.version = 14 : i64} {
  func.func @emb(%arg0: i32, %arg1: i32, %arg2: memref<16384xi32, #tpu.memory_space<hbm>>, %arg3: memref<1001x128xf32, #tpu.memory_space<hbm>>, %arg4: memref<16384x128xf32, #tpu.memory_space<hbm>>, %arg5: memref<512xi32, #tpu.memory_space<vmem>>, %arg6: memref<512x128xf32, #tpu.memory_space<vmem>>, %arg7: memref<1001x128xf32, #tpu.memory_space<vmem_shared>>, %arg8: memref<16x!tpu.dma_semaphore, #tpu.memory_space<semaphore_mem>>, %arg9: memref<!tpu.dma_semaphore, #tpu.memory_space<semaphore_mem>>, %arg10: memref<!tpu.dma_semaphore, #tpu.memory_space<semaphore_mem>>) attributes {dimension_semantics = [#tpu.dimension_semantics<core_parallel>, #tpu.dimension_semantics<subcore_parallel>], iteration_bounds = array<i64: 2, 16>, scalar_prefetch = 0 : i64, scratch_operands = 6 : i64, tpu.core_type = #tpu.core_type<sc_vector_subcore>, window_params = [{transform_indices = #map}, {transform_indices = #map1}, {transform_indices = #map1}]} {
    %mul3A = arith.constant 2 : i32
    %mul3A_0 = arith.muli %arg1, %mul3A : i32
    %add3A = arith.addi %mul3A_0, %arg0 : i32
    %mul3A_1 = arith.constant 512 : i32
    %mul3A_2 = arith.muli %add3A, %mul3A_1 : i32
    %dma_start3A = tpu.memref_slice %arg2[%mul3A_2] : memref<16384xi32, #tpu.memory_space<hbm>> -> memref<512xi32, #tpu.memory_space<hbm>>
    %dma_start3A_3 = tpu.memref_slice %arg2[%mul3A_2] : memref<16384xi32, #tpu.memory_space<hbm>> -> memref<512xi32, #tpu.memory_space<hbm>>
    tpu.enqueue_dma source(%dma_start3A_3 : memref<512xi32, #tpu.memory_space<hbm>>) target(%arg5 : memref<512xi32, #tpu.memory_space<vmem>>) target_semaphore(%arg10 : memref<!tpu.dma_semaphore, #tpu.memory_space<semaphore_mem>>)
    %lt3A = arith.constant 15 : i32
    %lt3A_4 = arith.cmpi slt, %arg1, %lt3A : i32
    %convert_element_type3A = arith.extui %lt3A_4 : i1 to i32
    %cond3A = arith.constant 0 : i32
    %cond3A_5 = arith.cmpi ne, %convert_element_type3A, %cond3A : i32
    scf.if %cond3A_5 {
      %mul3A_715 = arith.constant 64 : i32
      %mul3A_716 = arith.muli %arg1, %mul3A_715 : i32
      %mul3A_717 = arith.constant 64 : i32
      %mul3A_718 = arith.muli %arg1, %mul3A_717 : i32
      "tpu.region"() ({
        %run_scoped3A = tpu.sem_alloc : memref<!tpu.dma_semaphore, #tpu.memory_space<semaphore_mem>>
        %dma_start3A_719 = arith.constant 0 : i32
        %dma_start3A_720 = tpu.memref_slice %arg7[%mul3A_718, %dma_start3A_719] : memref<1001x128xf32, #tpu.memory_space<vmem_shared>> -> memref<64x128xf32, #tpu.memory_space<vmem_shared>>
        %dma_start3A_721 = arith.constant 0 : i32
        %dma_start3A_722 = tpu.memref_slice %arg3[%mul3A_716, %dma_start3A_721] : memref<1001x128xf32, #tpu.memory_space<hbm>> -> memref<64x128xf32, #tpu.memory_space<hbm>>
        tpu.enqueue_dma source(%dma_start3A_722 : memref<64x128xf32, #tpu.memory_space<hbm>>) target(%dma_start3A_720 : memref<64x128xf32, #tpu.memory_space<vmem_shared>>) target_semaphore(%run_scoped3A : memref<!tpu.dma_semaphore, #tpu.memory_space<semaphore_mem>>)
        %dma_wait3A_723 = arith.constant 0 : i32
        %dma_wait3A_724 = tpu.memref_slice %arg7[%mul3A_718, %dma_wait3A_723] : memref<1001x128xf32, #tpu.memory_space<vmem_shared>> -> memref<64x128xf32, #tpu.memory_space<vmem_shared>>
        %dma_wait3A_725 = arith.constant 0 : i32
        %dma_wait3A_726 = tpu.memref_slice %arg3[%mul3A_716, %dma_wait3A_725] : memref<1001x128xf32, #tpu.memory_space<hbm>> -> memref<64x128xf32, #tpu.memory_space<hbm>>
        tpu.wait_dma2 semaphore(%run_scoped3A : memref<!tpu.dma_semaphore, #tpu.memory_space<semaphore_mem>>) src(%dma_wait3A_726 : memref<64x128xf32, #tpu.memory_space<hbm>>) dst(%dma_wait3A_724 : memref<64x128xf32, #tpu.memory_space<vmem_shared>>)
        tpu.yield
      }) : () -> ()
    } else {
    }
    %eq3A = arith.constant 15 : i32
    %eq3A_6 = arith.cmpi eq, %arg1, %eq3A : i32
    %convert_element_type3A_7 = arith.extui %eq3A_6 : i1 to i32
    %cond3A_8 = arith.constant 0 : i32
    %cond3A_9 = arith.cmpi ne, %convert_element_type3A_7, %cond3A_8 : i32
    scf.if %cond3A_9 {
      "tpu.region"() ({
        %run_scoped3A = tpu.sem_alloc : memref<!tpu.dma_semaphore, #tpu.memory_space<semaphore_mem>>
        %dma_start3A_715 = arith.constant 960 : i32
        %dma_start3A_716 = arith.constant 0 : i32
        %dma_start3A_717 = tpu.memref_slice %arg7[%dma_start3A_715, %dma_start3A_716] : memref<1001x128xf32, #tpu.memory_space<vmem_shared>> -> memref<41x128xf32, #tpu.memory_space<vmem_shared>>
        %dma_start3A_718 = arith.constant 960 : i32
        %dma_start3A_719 = arith.constant 0 : i32
        %dma_start3A_720 = tpu.memref_slice %arg3[%dma_start3A_718, %dma_start3A_719] : memref<1001x128xf32, #tpu.memory_space<hbm>> -> memref<41x128xf32, #tpu.memory_space<hbm>>
        tpu.enqueue_dma source(%dma_start3A_720 : memref<41x128xf32, #tpu.memory_space<hbm>>) target(%dma_start3A_717 : memref<41x128xf32, #tpu.memory_space<vmem_shared>>) target_semaphore(%run_scoped3A : memref<!tpu.dma_semaphore, #tpu.memory_space<semaphore_mem>>)
        %dma_wait3A_721 = arith.constant 960 : i32
        %dma_wait3A_722 = arith.constant 0 : i32
        %dma_wait3A_723 = tpu.memref_slice %arg7[%dma_wait3A_721, %dma_wait3A_722] : memref<1001x128xf32, #tpu.memory_space<vmem_shared>> -> memref<41x128xf32, #tpu.memory_space<vmem_shared>>
        %dma_wait3A_724 = arith.constant 960 : i32
        %dma_wait3A_725 = arith.constant 0 : i32
        %dma_wait3A_726 = tpu.memref_slice %arg3[%dma_wait3A_724, %dma_wait3A_725] : memref<1001x128xf32, #tpu.memory_space<hbm>> -> memref<41x128xf32, #tpu.memory_space<hbm>>
        tpu.wait_dma2 semaphore(%run_scoped3A : memref<!tpu.dma_semaphore, #tpu.memory_space<semaphore_mem>>) src(%dma_wait3A_726 : memref<41x128xf32, #tpu.memory_space<hbm>>) dst(%dma_wait3A_723 : memref<41x128xf32, #tpu.memory_space<vmem_shared>>)
        tpu.yield
      }) : () -> ()
    } else {
    }
    %dma_wait3A = tpu.memref_slice %arg2[%mul3A_2] : memref<16384xi32, #tpu.memory_space<hbm>> -> memref<512xi32, #tpu.memory_space<hbm>>
    %dma_wait3A_10 = tpu.memref_slice %arg2[%mul3A_2] : memref<16384xi32, #tpu.memory_space<hbm>> -> memref<512xi32, #tpu.memory_space<hbm>>
    tpu.wait_dma2 semaphore(%arg10 : memref<!tpu.dma_semaphore, #tpu.memory_space<semaphore_mem>>) src(%dma_wait3A_10 : memref<512xi32, #tpu.memory_space<hbm>>) dst(%arg5 : memref<512xi32, #tpu.memory_space<vmem>>)
    %barrier3A = arith.constant 0 : index
    tpu.barrier barrier_id(%barrier3A)
    %dma_start3A_11 = arith.constant 0 : i32
    %dma_start3A_12 = arith.constant 0 : i32
    %dma_start3A_13 = arith.constant 0 : i32
    %dma_start3A_14 = tpu.memref_slice %arg6[%dma_start3A_12, %dma_start3A_13] : memref<512x128xf32, #tpu.memory_space<vmem>> -> memref<32x128xf32, #tpu.memory_space<vmem>>
    %dma_start3A_15 = arith.constant 0 : i32
    %dma_start3A_16 = tpu.memref_slice %arg5[%dma_start3A_15] : memref<512xi32, #tpu.memory_space<vmem>> -> memref<32xi32, #tpu.memory_space<vmem>>
    %dma_start3A_17 = arith.constant 0 : i32
    %dma_start3A_18 = arith.constant 0 : i32
    %dma_start3A_19 = tpu.memref_slice %arg7[%dma_start3A_17, %dma_start3A_18] : memref<1001x128xf32, #tpu.memory_space<vmem_shared>> -> memref<1001x128xf32, #tpu.memory_space<vmem_shared>>
    %dma_start3A_20 = tpu.memref_slice %arg8[%dma_start3A_11] : memref<16x!tpu.dma_semaphore, #tpu.memory_space<semaphore_mem>> -> memref<1x!tpu.dma_semaphore, #tpu.memory_space<semaphore_mem>>
    %dma_start3A_21 = tpu.memref_squeeze %dma_start3A_20 : memref<1x!tpu.dma_semaphore, #tpu.memory_space<semaphore_mem>> -> memref<!tpu.dma_semaphore, #tpu.memory_space<semaphore_mem>>
    tpu.enqueue_indirect_dma source(%dma_start3A_19 : memref<1001x128xf32, #tpu.memory_space<vmem_shared>>) target(%dma_start3A_14 : memref<32x128xf32, #tpu.memory_space<vmem>>) offsets(%dma_start3A_16 : memref<32xi32, #tpu.memory_space<vmem>>) semaphore(%dma_start3A_21 : memref<!tpu.dma_semaphore, #tpu.memory_space<semaphore_mem>>)
    %dma_start3A_22 = arith.constant 1 : i32
    %dma_start3A_23 = arith.constant 32 : i32
    %dma_start3A_24 = arith.constant 0 : i32
    %dma_start3A_25 = tpu.memref_slice %arg6[%dma_start3A_23, %dma_start3A_24] : memref<512x128xf32, #tpu.memory_space<vmem>> -> memref<32x128xf32, #tpu.memory_space<vmem>>
    %dma_start3A_26 = arith.constant 32 : i32
    %dma_start3A_27 = tpu.memref_slice %arg5[%dma_start3A_26] : memref<512xi32, #tpu.memory_space<vmem>> -> memref<32xi32, #tpu.memory_space<vmem>>
    %dma_start3A_28 = arith.constant 0 : i32
    %dma_start3A_29 = arith.constant 0 : i32
    %dma_start3A_30 = tpu.memref_slice %arg7[%dma_start3A_28, %dma_start3A_29] : memref<1001x128xf32, #tpu.memory_space<vmem_shared>> -> memref<1001x128xf32, #tpu.memory_space<vmem_shared>>
    %dma_start3A_31 = tpu.memref_slice %arg8[%dma_start3A_22] : memref<16x!tpu.dma_semaphore, #tpu.memory_space<semaphore_mem>> -> memref<1x!tpu.dma_semaphore, #tpu.memory_space<semaphore_mem>>
    %dma_start3A_32 = tpu.memref_squeeze %dma_start3A_31 : memref<1x!tpu.dma_semaphore, #tpu.memory_space<semaphore_mem>> -> memref<!tpu.dma_semaphore, #tpu.memory_space<semaphore_mem>>
    tpu.enqueue_indirect_dma source(%dma_start3A_30 : memref<1001x128xf32, #tpu.memory_space<vmem_shared>>) target(%dma_start3A_25 : memref<32x128xf32, #tpu.memory_space<vmem>>) offsets(%dma_start3A_27 : memref<32xi32, #tpu.memory_space<vmem>>) semaphore(%dma_start3A_32 : memref<!tpu.dma_semaphore, #tpu.memory_space<semaphore_mem>>)
    %dma_start3A_33 = arith.constant 2 : i32
    %dma_start3A_34 = arith.constant 64 : i32
    %dma_start3A_35 = arith.constant 0 : i32
    %dma_start3A_36 = tpu.memref_slice %arg6[%dma_start3A_34, %dma_start3A_35] : memref<512x128xf32, #tpu.memory_space<vmem>> -> memref<32x128xf32, #tpu.memory_space<vmem>>
    %dma_start3A_37 = arith.constant 64 : i32
    %dma_start3A_38 = tpu.memref_slice %arg5[%dma_start3A_37] : memref<512xi32, #tpu.memory_space<vmem>> -> memref<32xi32, #tpu.memory_space<vmem>>
    %dma_start3A_39 = arith.constant 0 : i32
    %dma_start3A_40 = arith.constant 0 : i32
    %dma_start3A_41 = tpu.memref_slice %arg7[%dma_start3A_39, %dma_start3A_40] : memref<1001x128xf32, #tpu.memory_space<vmem_shared>> -> memref<1001x128xf32, #tpu.memory_space<vmem_shared>>
    %dma_start3A_42 = tpu.memref_slice %arg8[%dma_start3A_33] : memref<16x!tpu.dma_semaphore, #tpu.memory_space<semaphore_mem>> -> memref<1x!tpu.dma_semaphore, #tpu.memory_space<semaphore_mem>>
    %dma_start3A_43 = tpu.memref_squeeze %dma_start3A_42 : memref<1x!tpu.dma_semaphore, #tpu.memory_space<semaphore_mem>> -> memref<!tpu.dma_semaphore, #tpu.memory_space<semaphore_mem>>
    tpu.enqueue_indirect_dma source(%dma_start3A_41 : memref<1001x128xf32, #tpu.memory_space<vmem_shared>>) target(%dma_start3A_36 : memref<32x128xf32, #tpu.memory_space<vmem>>) offsets(%dma_start3A_38 : memref<32xi32, #tpu.memory_space<vmem>>) semaphore(%dma_start3A_43 : memref<!tpu.dma_semaphore, #tpu.memory_space<semaphore_mem>>)
    %dma_start3A_44 = arith.constant 3 : i32
    %dma_start3A_45 = arith.constant 96 : i32
    %dma_start3A_46 = arith.constant 0 : i32
    %dma_start3A_47 = tpu.memref_slice %arg6[%dma_start3A_45, %dma_start3A_46] : memref<512x128xf32, #tpu.memory_space<vmem>> -> memref<32x128xf32, #tpu.memory_space<vmem>>
    %dma_start3A_48 = arith.constant 96 : i32
    %dma_start3A_49 = tpu.memref_slice %arg5[%dma_start3A_48] : memref<512xi32, #tpu.memory_space<vmem>> -> memref<32xi32, #tpu.memory_space<vmem>>
    %dma_start3A_50 = arith.constant 0 : i32
    %dma_start3A_51 = arith.constant 0 : i32
    %dma_start3A_52 = tpu.memref_slice %arg7[%dma_start3A_50, %dma_start3A_51] : memref<1001x128xf32, #tpu.memory_space<vmem_shared>> -> memref<1001x128xf32, #tpu.memory_space<vmem_shared>>
    %dma_start3A_53 = tpu.memref_slice %arg8[%dma_start3A_44] : memref<16x!tpu.dma_semaphore, #tpu.memory_space<semaphore_mem>> -> memref<1x!tpu.dma_semaphore, #tpu.memory_space<semaphore_mem>>
    %dma_start3A_54 = tpu.memref_squeeze %dma_start3A_53 : memref<1x!tpu.dma_semaphore, #tpu.memory_space<semaphore_mem>> -> memref<!tpu.dma_semaphore, #tpu.memory_space<semaphore_mem>>
    tpu.enqueue_indirect_dma source(%dma_start3A_52 : memref<1001x128xf32, #tpu.memory_space<vmem_shared>>) target(%dma_start3A_47 : memref<32x128xf32, #tpu.memory_space<vmem>>) offsets(%dma_start3A_49 : memref<32xi32, #tpu.memory_space<vmem>>) semaphore(%dma_start3A_54 : memref<!tpu.dma_semaphore, #tpu.memory_space<semaphore_mem>>)
    %dma_start3A_55 = arith.constant 4 : i32
    %dma_start3A_56 = arith.constant 128 : i32
    %dma_start3A_57 = arith.constant 0 : i32
    %dma_start3A_58 = tpu.memref_slice %arg6[%dma_start3A_56, %dma_start3A_57] : memref<512x128xf32, #tpu.memory_space<vmem>> -> memref<32x128xf32, #tpu.memory_space<vmem>>
    %dma_start3A_59 = arith.constant 128 : i32
    %dma_start3A_60 = tpu.memref_slice %arg5[%dma_start3A_59] : memref<512xi32, #tpu.memory_space<vmem>> -> memref<32xi32, #tpu.memory_space<vmem>>
    %dma_start3A_61 = arith.constant 0 : i32
    %dma_start3A_62 = arith.constant 0 : i32
    %dma_start3A_63 = tpu.memref_slice %arg7[%dma_start3A_61, %dma_start3A_62] : memref<1001x128xf32, #tpu.memory_space<vmem_shared>> -> memref<1001x128xf32, #tpu.memory_space<vmem_shared>>
    %dma_start3A_64 = tpu.memref_slice %arg8[%dma_start3A_55] : memref<16x!tpu.dma_semaphore, #tpu.memory_space<semaphore_mem>> -> memref<1x!tpu.dma_semaphore, #tpu.memory_space<semaphore_mem>>
    %dma_start3A_65 = tpu.memref_squeeze %dma_start3A_64 : memref<1x!tpu.dma_semaphore, #tpu.memory_space<semaphore_mem>> -> memref<!tpu.dma_semaphore, #tpu.memory_space<semaphore_mem>>
    tpu.enqueue_indirect_dma source(%dma_start3A_63 : memref<1001x128xf32, #tpu.memory_space<vmem_shared>>) target(%dma_start3A_58 : memref<32x128xf32, #tpu.memory_space<vmem>>) offsets(%dma_start3A_60 : memref<32xi32, #tpu.memory_space<vmem>>) semaphore(%dma_start3A_65 : memref<!tpu.dma_semaphore, #tpu.memory_space<semaphore_mem>>)
    %dma_start3A_66 = arith.constant 5 : i32
    %dma_start3A_67 = arith.constant 160 : i32
    %dma_start3A_68 = arith.constant 0 : i32
    %dma_start3A_69 = tpu.memref_slice %arg6[%dma_start3A_67, %dma_start3A_68] : memref<512x128xf32, #tpu.memory_space<vmem>> -> memref<32x128xf32, #tpu.memory_space<vmem>>
    %dma_start3A_70 = arith.constant 160 : i32
    %dma_start3A_71 = tpu.memref_slice %arg5[%dma_start3A_70] : memref<512xi32, #tpu.memory_space<vmem>> -> memref<32xi32, #tpu.memory_space<vmem>>
    %dma_start3A_72 = arith.constant 0 : i32
    %dma_start3A_73 = arith.constant 0 : i32
    %dma_start3A_74 = tpu.memref_slice %arg7[%dma_start3A_72, %dma_start3A_73] : memref<1001x128xf32, #tpu.memory_space<vmem_shared>> -> memref<1001x128xf32, #tpu.memory_space<vmem_shared>>
    %dma_start3A_75 = tpu.memref_slice %arg8[%dma_start3A_66] : memref<16x!tpu.dma_semaphore, #tpu.memory_space<semaphore_mem>> -> memref<1x!tpu.dma_semaphore, #tpu.memory_space<semaphore_mem>>
    %dma_start3A_76 = tpu.memref_squeeze %dma_start3A_75 : memref<1x!tpu.dma_semaphore, #tpu.memory_space<semaphore_mem>> -> memref<!tpu.dma_semaphore, #tpu.memory_space<semaphore_mem>>
    tpu.enqueue_indirect_dma source(%dma_start3A_74 : memref<1001x128xf32, #tpu.memory_space<vmem_shared>>) target(%dma_start3A_69 : memref<32x128xf32, #tpu.memory_space<vmem>>) offsets(%dma_start3A_71 : memref<32xi32, #tpu.memory_space<vmem>>) semaphore(%dma_start3A_76 : memref<!tpu.dma_semaphore, #tpu.memory_space<semaphore_mem>>)
    %dma_start3A_77 = arith.constant 6 : i32
    %dma_start3A_78 = arith.constant 192 : i32
    %dma_start3A_79 = arith.constant 0 : i32
    %dma_start3A_80 = tpu.memref_slice %arg6[%dma_start3A_78, %dma_start3A_79] : memref<512x128xf32, #tpu.memory_space<vmem>> -> memref<32x128xf32, #tpu.memory_space<vmem>>
    %dma_start3A_81 = arith.constant 192 : i32
    %dma_start3A_82 = tpu.memref_slice %arg5[%dma_start3A_81] : memref<512xi32, #tpu.memory_space<vmem>> -> memref<32xi32, #tpu.memory_space<vmem>>
    %dma_start3A_83 = arith.constant 0 : i32
    %dma_start3A_84 = arith.constant 0 : i32
    %dma_start3A_85 = tpu.memref_slice %arg7[%dma_start3A_83, %dma_start3A_84] : memref<1001x128xf32, #tpu.memory_space<vmem_shared>> -> memref<1001x128xf32, #tpu.memory_space<vmem_shared>>
    %dma_start3A_86 = tpu.memref_slice %arg8[%dma_start3A_77] : memref<16x!tpu.dma_semaphore, #tpu.memory_space<semaphore_mem>> -> memref<1x!tpu.dma_semaphore, #tpu.memory_space<semaphore_mem>>
    %dma_start3A_87 = tpu.memref_squeeze %dma_start3A_86 : memref<1x!tpu.dma_semaphore, #tpu.memory_space<semaphore_mem>> -> memref<!tpu.dma_semaphore, #tpu.memory_space<semaphore_mem>>
    tpu.enqueue_indirect_dma source(%dma_start3A_85 : memref<1001x128xf32, #tpu.memory_space<vmem_shared>>) target(%dma_start3A_80 : memref<32x128xf32, #tpu.memory_space<vmem>>) offsets(%dma_start3A_82 : memref<32xi32, #tpu.memory_space<vmem>>) semaphore(%dma_start3A_87 : memref<!tpu.dma_semaphore, #tpu.memory_space<semaphore_mem>>)
    %dma_start3A_88 = arith.constant 7 : i32
    %dma_start3A_89 = arith.constant 224 : i32
    %dma_start3A_90 = arith.constant 0 : i32
    %dma_start3A_91 = tpu.memref_slice %arg6[%dma_start3A_89, %dma_start3A_90] : memref<512x128xf32, #tpu.memory_space<vmem>> -> memref<32x128xf32, #tpu.memory_space<vmem>>
    %dma_start3A_92 = arith.constant 224 : i32
    %dma_start3A_93 = tpu.memref_slice %arg5[%dma_start3A_92] : memref<512xi32, #tpu.memory_space<vmem>> -> memref<32xi32, #tpu.memory_space<vmem>>
    %dma_start3A_94 = arith.constant 0 : i32
    %dma_start3A_95 = arith.constant 0 : i32
    %dma_start3A_96 = tpu.memref_slice %arg7[%dma_start3A_94, %dma_start3A_95] : memref<1001x128xf32, #tpu.memory_space<vmem_shared>> -> memref<1001x128xf32, #tpu.memory_space<vmem_shared>>
    %dma_start3A_97 = tpu.memref_slice %arg8[%dma_start3A_88] : memref<16x!tpu.dma_semaphore, #tpu.memory_space<semaphore_mem>> -> memref<1x!tpu.dma_semaphore, #tpu.memory_space<semaphore_mem>>
    %dma_start3A_98 = tpu.memref_squeeze %dma_start3A_97 : memref<1x!tpu.dma_semaphore, #tpu.memory_space<semaphore_mem>> -> memref<!tpu.dma_semaphore, #tpu.memory_space<semaphore_mem>>
    tpu.enqueue_indirect_dma source(%dma_start3A_96 : memref<1001x128xf32, #tpu.memory_space<vmem_shared>>) target(%dma_start3A_91 : memref<32x128xf32, #tpu.memory_space<vmem>>) offsets(%dma_start3A_93 : memref<32xi32, #tpu.memory_space<vmem>>) semaphore(%dma_start3A_98 : memref<!tpu.dma_semaphore, #tpu.memory_space<semaphore_mem>>)
    %dma_start3A_99 = arith.constant 8 : i32
    %dma_start3A_100 = arith.constant 256 : i32
    %dma_start3A_101 = arith.constant 0 : i32
    %dma_start3A_102 = tpu.memref_slice %arg6[%dma_start3A_100, %dma_start3A_101] : memref<512x128xf32, #tpu.memory_space<vmem>> -> memref<32x128xf32, #tpu.memory_space<vmem>>
    %dma_start3A_103 = arith.constant 256 : i32
    %dma_start3A_104 = tpu.memref_slice %arg5[%dma_start3A_103] : memref<512xi32, #tpu.memory_space<vmem>> -> memref<32xi32, #tpu.memory_space<vmem>>
    %dma_start3A_105 = arith.constant 0 : i32
    %dma_start3A_106 = arith.constant 0 : i32
    %dma_start3A_107 = tpu.memref_slice %arg7[%dma_start3A_105, %dma_start3A_106] : memref<1001x128xf32, #tpu.memory_space<vmem_shared>> -> memref<1001x128xf32, #tpu.memory_space<vmem_shared>>
    %dma_start3A_108 = tpu.memref_slice %arg8[%dma_start3A_99] : memref<16x!tpu.dma_semaphore, #tpu.memory_space<semaphore_mem>> -> memref<1x!tpu.dma_semaphore, #tpu.memory_space<semaphore_mem>>
    %dma_start3A_109 = tpu.memref_squeeze %dma_start3A_108 : memref<1x!tpu.dma_semaphore, #tpu.memory_space<semaphore_mem>> -> memref<!tpu.dma_semaphore, #tpu.memory_space<semaphore_mem>>
    tpu.enqueue_indirect_dma source(%dma_start3A_107 : memref<1001x128xf32, #tpu.memory_space<vmem_shared>>) target(%dma_start3A_102 : memref<32x128xf32, #tpu.memory_space<vmem>>) offsets(%dma_start3A_104 : memref<32xi32, #tpu.memory_space<vmem>>) semaphore(%dma_start3A_109 : memref<!tpu.dma_semaphore, #tpu.memory_space<semaphore_mem>>)
    %dma_start3A_110 = arith.constant 9 : i32
    %dma_start3A_111 = arith.constant 288 : i32
    %dma_start3A_112 = arith.constant 0 : i32
    %dma_start3A_113 = tpu.memref_slice %arg6[%dma_start3A_111, %dma_start3A_112] : memref<512x128xf32, #tpu.memory_space<vmem>> -> memref<32x128xf32, #tpu.memory_space<vmem>>
    %dma_start3A_114 = arith.constant 288 : i32
    %dma_start3A_115 = tpu.memref_slice %arg5[%dma_start3A_114] : memref<512xi32, #tpu.memory_space<vmem>> -> memref<32xi32, #tpu.memory_space<vmem>>
    %dma_start3A_116 = arith.constant 0 : i32
    %dma_start3A_117 = arith.constant 0 : i32
    %dma_start3A_118 = tpu.memref_slice %arg7[%dma_start3A_116, %dma_start3A_117] : memref<1001x128xf32, #tpu.memory_space<vmem_shared>> -> memref<1001x128xf32, #tpu.memory_space<vmem_shared>>
    %dma_start3A_119 = tpu.memref_slice %arg8[%dma_start3A_110] : memref<16x!tpu.dma_semaphore, #tpu.memory_space<semaphore_mem>> -> memref<1x!tpu.dma_semaphore, #tpu.memory_space<semaphore_mem>>
    %dma_start3A_120 = tpu.memref_squeeze %dma_start3A_119 : memref<1x!tpu.dma_semaphore, #tpu.memory_space<semaphore_mem>> -> memref<!tpu.dma_semaphore, #tpu.memory_space<semaphore_mem>>
    tpu.enqueue_indirect_dma source(%dma_start3A_118 : memref<1001x128xf32, #tpu.memory_space<vmem_shared>>) target(%dma_start3A_113 : memref<32x128xf32, #tpu.memory_space<vmem>>) offsets(%dma_start3A_115 : memref<32xi32, #tpu.memory_space<vmem>>) semaphore(%dma_start3A_120 : memref<!tpu.dma_semaphore, #tpu.memory_space<semaphore_mem>>)
    %dma_start3A_121 = arith.constant 10 : i32
    %dma_start3A_122 = arith.constant 320 : i32
    %dma_start3A_123 = arith.constant 0 : i32
    %dma_start3A_124 = tpu.memref_slice %arg6[%dma_start3A_122, %dma_start3A_123] : memref<512x128xf32, #tpu.memory_space<vmem>> -> memref<32x128xf32, #tpu.memory_space<vmem>>
    %dma_start3A_125 = arith.constant 320 : i32
    %dma_start3A_126 = tpu.memref_slice %arg5[%dma_start3A_125] : memref<512xi32, #tpu.memory_space<vmem>> -> memref<32xi32, #tpu.memory_space<vmem>>
    %dma_start3A_127 = arith.constant 0 : i32
    %dma_start3A_128 = arith.constant 0 : i32
    %dma_start3A_129 = tpu.memref_slice %arg7[%dma_start3A_127, %dma_start3A_128] : memref<1001x128xf32, #tpu.memory_space<vmem_shared>> -> memref<1001x128xf32, #tpu.memory_space<vmem_shared>>
    %dma_start3A_130 = tpu.memref_slice %arg8[%dma_start3A_121] : memref<16x!tpu.dma_semaphore, #tpu.memory_space<semaphore_mem>> -> memref<1x!tpu.dma_semaphore, #tpu.memory_space<semaphore_mem>>
    %dma_start3A_131 = tpu.memref_squeeze %dma_start3A_130 : memref<1x!tpu.dma_semaphore, #tpu.memory_space<semaphore_mem>> -> memref<!tpu.dma_semaphore, #tpu.memory_space<semaphore_mem>>
    tpu.enqueue_indirect_dma source(%dma_start3A_129 : memref<1001x128xf32, #tpu.memory_space<vmem_shared>>) target(%dma_start3A_124 : memref<32x128xf32, #tpu.memory_space<vmem>>) offsets(%dma_start3A_126 : memref<32xi32, #tpu.memory_space<vmem>>) semaphore(%dma_start3A_131 : memref<!tpu.dma_semaphore, #tpu.memory_space<semaphore_mem>>)
    %dma_start3A_132 = arith.constant 11 : i32
    %dma_start3A_133 = arith.constant 352 : i32
    %dma_start3A_134 = arith.constant 0 : i32
    %dma_start3A_135 = tpu.memref_slice %arg6[%dma_start3A_133, %dma_start3A_134] : memref<512x128xf32, #tpu.memory_space<vmem>> -> memref<32x128xf32, #tpu.memory_space<vmem>>
    %dma_start3A_136 = arith.constant 352 : i32
    %dma_start3A_137 = tpu.memref_slice %arg5[%dma_start3A_136] : memref<512xi32, #tpu.memory_space<vmem>> -> memref<32xi32, #tpu.memory_space<vmem>>
    %dma_start3A_138 = arith.constant 0 : i32
    %dma_start3A_139 = arith.constant 0 : i32
    %dma_start3A_140 = tpu.memref_slice %arg7[%dma_start3A_138, %dma_start3A_139] : memref<1001x128xf32, #tpu.memory_space<vmem_shared>> -> memref<1001x128xf32, #tpu.memory_space<vmem_shared>>
    %dma_start3A_141 = tpu.memref_slice %arg8[%dma_start3A_132] : memref<16x!tpu.dma_semaphore, #tpu.memory_space<semaphore_mem>> -> memref<1x!tpu.dma_semaphore, #tpu.memory_space<semaphore_mem>>
    %dma_start3A_142 = tpu.memref_squeeze %dma_start3A_141 : memref<1x!tpu.dma_semaphore, #tpu.memory_space<semaphore_mem>> -> memref<!tpu.dma_semaphore, #tpu.memory_space<semaphore_mem>>
    tpu.enqueue_indirect_dma source(%dma_start3A_140 : memref<1001x128xf32, #tpu.memory_space<vmem_shared>>) target(%dma_start3A_135 : memref<32x128xf32, #tpu.memory_space<vmem>>) offsets(%dma_start3A_137 : memref<32xi32, #tpu.memory_space<vmem>>) semaphore(%dma_start3A_142 : memref<!tpu.dma_semaphore, #tpu.memory_space<semaphore_mem>>)
    %dma_start3A_143 = arith.constant 12 : i32
    %dma_start3A_144 = arith.constant 384 : i32
    %dma_start3A_145 = arith.constant 0 : i32
    %dma_start3A_146 = tpu.memref_slice %arg6[%dma_start3A_144, %dma_start3A_145] : memref<512x128xf32, #tpu.memory_space<vmem>> -> memref<32x128xf32, #tpu.memory_space<vmem>>
    %dma_start3A_147 = arith.constant 384 : i32
    %dma_start3A_148 = tpu.memref_slice %arg5[%dma_start3A_147] : memref<512xi32, #tpu.memory_space<vmem>> -> memref<32xi32, #tpu.memory_space<vmem>>
    %dma_start3A_149 = arith.constant 0 : i32
    %dma_start3A_150 = arith.constant 0 : i32
    %dma_start3A_151 = tpu.memref_slice %arg7[%dma_start3A_149, %dma_start3A_150] : memref<1001x128xf32, #tpu.memory_space<vmem_shared>> -> memref<1001x128xf32, #tpu.memory_space<vmem_shared>>
    %dma_start3A_152 = tpu.memref_slice %arg8[%dma_start3A_143] : memref<16x!tpu.dma_semaphore, #tpu.memory_space<semaphore_mem>> -> memref<1x!tpu.dma_semaphore, #tpu.memory_space<semaphore_mem>>
    %dma_start3A_153 = tpu.memref_squeeze %dma_start3A_152 : memref<1x!tpu.dma_semaphore, #tpu.memory_space<semaphore_mem>> -> memref<!tpu.dma_semaphore, #tpu.memory_space<semaphore_mem>>
    tpu.enqueue_indirect_dma source(%dma_start3A_151 : memref<1001x128xf32, #tpu.memory_space<vmem_shared>>) target(%dma_start3A_146 : memref<32x128xf32, #tpu.memory_space<vmem>>) offsets(%dma_start3A_148 : memref<32xi32, #tpu.memory_space<vmem>>) semaphore(%dma_start3A_153 : memref<!tpu.dma_semaphore, #tpu.memory_space<semaphore_mem>>)
    %dma_start3A_154 = arith.constant 13 : i32
    %dma_start3A_155 = arith.constant 416 : i32
    %dma_start3A_156 = arith.constant 0 : i32
    %dma_start3A_157 = tpu.memref_slice %arg6[%dma_start3A_155, %dma_start3A_156] : memref<512x128xf32, #tpu.memory_space<vmem>> -> memref<32x128xf32, #tpu.memory_space<vmem>>
    %dma_start3A_158 = arith.constant 416 : i32
    %dma_start3A_159 = tpu.memref_slice %arg5[%dma_start3A_158] : memref<512xi32, #tpu.memory_space<vmem>> -> memref<32xi32, #tpu.memory_space<vmem>>
    %dma_start3A_160 = arith.constant 0 : i32
    %dma_start3A_161 = arith.constant 0 : i32
    %dma_start3A_162 = tpu.memref_slice %arg7[%dma_start3A_160, %dma_start3A_161] : memref<1001x128xf32, #tpu.memory_space<vmem_shared>> -> memref<1001x128xf32, #tpu.memory_space<vmem_shared>>
    %dma_start3A_163 = tpu.memref_slice %arg8[%dma_start3A_154] : memref<16x!tpu.dma_semaphore, #tpu.memory_space<semaphore_mem>> -> memref<1x!tpu.dma_semaphore, #tpu.memory_space<semaphore_mem>>
    %dma_start3A_164 = tpu.memref_squeeze %dma_start3A_163 : memref<1x!tpu.dma_semaphore, #tpu.memory_space<semaphore_mem>> -> memref<!tpu.dma_semaphore, #tpu.memory_space<semaphore_mem>>
    tpu.enqueue_indirect_dma source(%dma_start3A_162 : memref<1001x128xf32, #tpu.memory_space<vmem_shared>>) target(%dma_start3A_157 : memref<32x128xf32, #tpu.memory_space<vmem>>) offsets(%dma_start3A_159 : memref<32xi32, #tpu.memory_space<vmem>>) semaphore(%dma_start3A_164 : memref<!tpu.dma_semaphore, #tpu.memory_space<semaphore_mem>>)
    %dma_start3A_165 = arith.constant 14 : i32
    %dma_start3A_166 = arith.constant 448 : i32
    %dma_start3A_167 = arith.constant 0 : i32
    %dma_start3A_168 = tpu.memref_slice %arg6[%dma_start3A_166, %dma_start3A_167] : memref<512x128xf32, #tpu.memory_space<vmem>> -> memref<32x128xf32, #tpu.memory_space<vmem>>
    %dma_start3A_169 = arith.constant 448 : i32
    %dma_start3A_170 = tpu.memref_slice %arg5[%dma_start3A_169] : memref<512xi32, #tpu.memory_space<vmem>> -> memref<32xi32, #tpu.memory_space<vmem>>
    %dma_start3A_171 = arith.constant 0 : i32
    %dma_start3A_172 = arith.constant 0 : i32
    %dma_start3A_173 = tpu.memref_slice %arg7[%dma_start3A_171, %dma_start3A_172] : memref<1001x128xf32, #tpu.memory_space<vmem_shared>> -> memref<1001x128xf32, #tpu.memory_space<vmem_shared>>
    %dma_start3A_174 = tpu.memref_slice %arg8[%dma_start3A_165] : memref<16x!tpu.dma_semaphore, #tpu.memory_space<semaphore_mem>> -> memref<1x!tpu.dma_semaphore, #tpu.memory_space<semaphore_mem>>
    %dma_start3A_175 = tpu.memref_squeeze %dma_start3A_174 : memref<1x!tpu.dma_semaphore, #tpu.memory_space<semaphore_mem>> -> memref<!tpu.dma_semaphore, #tpu.memory_space<semaphore_mem>>
    tpu.enqueue_indirect_dma source(%dma_start3A_173 : memref<1001x128xf32, #tpu.memory_space<vmem_shared>>) target(%dma_start3A_168 : memref<32x128xf32, #tpu.memory_space<vmem>>) offsets(%dma_start3A_170 : memref<32xi32, #tpu.memory_space<vmem>>) semaphore(%dma_start3A_175 : memref<!tpu.dma_semaphore, #tpu.memory_space<semaphore_mem>>)
    %dma_start3A_176 = arith.constant 15 : i32
    %dma_start3A_177 = arith.constant 480 : i32
    %dma_start3A_178 = arith.constant 0 : i32
    %dma_start3A_179 = tpu.memref_slice %arg6[%dma_start3A_177, %dma_start3A_178] : memref<512x128xf32, #tpu.memory_space<vmem>> -> memref<32x128xf32, #tpu.memory_space<vmem>>
    %dma_start3A_180 = arith.constant 480 : i32
    %dma_start3A_181 = tpu.memref_slice %arg5[%dma_start3A_180] : memref<512xi32, #tpu.memory_space<vmem>> -> memref<32xi32, #tpu.memory_space<vmem>>
    %dma_start3A_182 = arith.constant 0 : i32
    %dma_start3A_183 = arith.constant 0 : i32
    %dma_start3A_184 = tpu.memref_slice %arg7[%dma_start3A_182, %dma_start3A_183] : memref<1001x128xf32, #tpu.memory_space<vmem_shared>> -> memref<1001x128xf32, #tpu.memory_space<vmem_shared>>
    %dma_start3A_185 = tpu.memref_slice %arg8[%dma_start3A_176] : memref<16x!tpu.dma_semaphore, #tpu.memory_space<semaphore_mem>> -> memref<1x!tpu.dma_semaphore, #tpu.memory_space<semaphore_mem>>
    %dma_start3A_186 = tpu.memref_squeeze %dma_start3A_185 : memref<1x!tpu.dma_semaphore, #tpu.memory_space<semaphore_mem>> -> memref<!tpu.dma_semaphore, #tpu.memory_space<semaphore_mem>>
    tpu.enqueue_indirect_dma source(%dma_start3A_184 : memref<1001x128xf32, #tpu.memory_space<vmem_shared>>) target(%dma_start3A_179 : memref<32x128xf32, #tpu.memory_space<vmem>>) offsets(%dma_start3A_181 : memref<32xi32, #tpu.memory_space<vmem>>) semaphore(%dma_start3A_186 : memref<!tpu.dma_semaphore, #tpu.memory_space<semaphore_mem>>)
    %dma_wait3A_187 = arith.constant 0 : i32
    %dma_wait3A_188 = arith.constant 0 : i32
    %dma_wait3A_189 = arith.constant 0 : i32
    %dma_wait3A_190 = tpu.memref_slice %arg6[%dma_wait3A_188, %dma_wait3A_189] : memref<512x128xf32, #tpu.memory_space<vmem>> -> memref<32x128xf32, #tpu.memory_space<vmem>>
    %dma_wait3A_191 = arith.constant 0 : i32
    %dma_wait3A_192 = tpu.memref_slice %arg5[%dma_wait3A_191] : memref<512xi32, #tpu.memory_space<vmem>> -> memref<32xi32, #tpu.memory_space<vmem>>
    %dma_wait3A_193 = arith.constant 0 : i32
    %dma_wait3A_194 = arith.constant 0 : i32
    %dma_wait3A_195 = tpu.memref_slice %arg7[%dma_wait3A_193, %dma_wait3A_194] : memref<1001x128xf32, #tpu.memory_space<vmem_shared>> -> memref<1001x128xf32, #tpu.memory_space<vmem_shared>>
    %dma_wait3A_196 = tpu.memref_slice %arg8[%dma_wait3A_187] : memref<16x!tpu.dma_semaphore, #tpu.memory_space<semaphore_mem>> -> memref<1x!tpu.dma_semaphore, #tpu.memory_space<semaphore_mem>>
    %dma_wait3A_197 = tpu.memref_squeeze %dma_wait3A_196 : memref<1x!tpu.dma_semaphore, #tpu.memory_space<semaphore_mem>> -> memref<!tpu.dma_semaphore, #tpu.memory_space<semaphore_mem>>
    tpu.wait_indirect_dma semaphore(%dma_wait3A_197 : memref<!tpu.dma_semaphore, #tpu.memory_space<semaphore_mem>>) src(%dma_wait3A_195 : memref<1001x128xf32, #tpu.memory_space<vmem_shared>>) dst(%dma_wait3A_190 : memref<32x128xf32, #tpu.memory_space<vmem>>)
    %add3A_198 = arith.constant 0 : i32
    %add3A_199 = arith.addi %mul3A_2, %add3A_198 : i32
    %dma_start3A_200 = arith.constant 0 : i32
    %dma_start3A_201 = arith.constant 0 : i32
    %dma_start3A_202 = tpu.memref_slice %arg6[%dma_start3A_200, %dma_start3A_201] : memref<512x128xf32, #tpu.memory_space<vmem>> -> memref<32x128xf32, #tpu.memory_space<vmem>>
    %dma_start3A_203 = arith.constant 0 : i32
    %dma_start3A_204 = tpu.memref_slice %arg4[%add3A_199, %dma_start3A_203] : memref<16384x128xf32, #tpu.memory_space<hbm>> -> memref<32x128xf32, #tpu.memory_space<hbm>>
    %dma_start3A_205 = arith.constant 0 : i32
    %dma_start3A_206 = tpu.memref_slice %arg4[%add3A_199, %dma_start3A_205] : memref<16384x128xf32, #tpu.memory_space<hbm>> -> memref<32x128xf32, #tpu.memory_space<hbm>>
    %dma_start3A_207 = arith.constant 0 : i32
    %dma_start3A_208 = arith.constant 0 : i32
    %dma_start3A_209 = tpu.memref_slice %arg6[%dma_start3A_207, %dma_start3A_208] : memref<512x128xf32, #tpu.memory_space<vmem>> -> memref<32x128xf32, #tpu.memory_space<vmem>>
    tpu.enqueue_dma source(%dma_start3A_209 : memref<32x128xf32, #tpu.memory_space<vmem>>) target(%dma_start3A_206 : memref<32x128xf32, #tpu.memory_space<hbm>>) target_semaphore(%arg9 : memref<!tpu.dma_semaphore, #tpu.memory_space<semaphore_mem>>)
    %dma_wait3A_210 = arith.constant 1 : i32
    %dma_wait3A_211 = arith.constant 32 : i32
    %dma_wait3A_212 = arith.constant 0 : i32
    %dma_wait3A_213 = tpu.memref_slice %arg6[%dma_wait3A_211, %dma_wait3A_212] : memref<512x128xf32, #tpu.memory_space<vmem>> -> memref<32x128xf32, #tpu.memory_space<vmem>>
    %dma_wait3A_214 = arith.constant 32 : i32
    %dma_wait3A_215 = tpu.memref_slice %arg5[%dma_wait3A_214] : memref<512xi32, #tpu.memory_space<vmem>> -> memref<32xi32, #tpu.memory_space<vmem>>
    %dma_wait3A_216 = arith.constant 0 : i32
    %dma_wait3A_217 = arith.constant 0 : i32
    %dma_wait3A_218 = tpu.memref_slice %arg7[%dma_wait3A_216, %dma_wait3A_217] : memref<1001x128xf32, #tpu.memory_space<vmem_shared>> -> memref<1001x128xf32, #tpu.memory_space<vmem_shared>>
    %dma_wait3A_219 = tpu.memref_slice %arg8[%dma_wait3A_210] : memref<16x!tpu.dma_semaphore, #tpu.memory_space<semaphore_mem>> -> memref<1x!tpu.dma_semaphore, #tpu.memory_space<semaphore_mem>>
    %dma_wait3A_220 = tpu.memref_squeeze %dma_wait3A_219 : memref<1x!tpu.dma_semaphore, #tpu.memory_space<semaphore_mem>> -> memref<!tpu.dma_semaphore, #tpu.memory_space<semaphore_mem>>
    tpu.wait_indirect_dma semaphore(%dma_wait3A_220 : memref<!tpu.dma_semaphore, #tpu.memory_space<semaphore_mem>>) src(%dma_wait3A_218 : memref<1001x128xf32, #tpu.memory_space<vmem_shared>>) dst(%dma_wait3A_213 : memref<32x128xf32, #tpu.memory_space<vmem>>)
    %add3A_221 = arith.constant 32 : i32
    %add3A_222 = arith.addi %mul3A_2, %add3A_221 : i32
    %dma_start3A_223 = arith.constant 32 : i32
    %dma_start3A_224 = arith.constant 0 : i32
    %dma_start3A_225 = tpu.memref_slice %arg6[%dma_start3A_223, %dma_start3A_224] : memref<512x128xf32, #tpu.memory_space<vmem>> -> memref<32x128xf32, #tpu.memory_space<vmem>>
    %dma_start3A_226 = arith.constant 0 : i32
    %dma_start3A_227 = tpu.memref_slice %arg4[%add3A_222, %dma_start3A_226] : memref<16384x128xf32, #tpu.memory_space<hbm>> -> memref<32x128xf32, #tpu.memory_space<hbm>>
    %dma_start3A_228 = arith.constant 0 : i32
    %dma_start3A_229 = tpu.memref_slice %arg4[%add3A_222, %dma_start3A_228] : memref<16384x128xf32, #tpu.memory_space<hbm>> -> memref<32x128xf32, #tpu.memory_space<hbm>>
    %dma_start3A_230 = arith.constant 32 : i32
    %dma_start3A_231 = arith.constant 0 : i32
    %dma_start3A_232 = tpu.memref_slice %arg6[%dma_start3A_230, %dma_start3A_231] : memref<512x128xf32, #tpu.memory_space<vmem>> -> memref<32x128xf32, #tpu.memory_space<vmem>>
    tpu.enqueue_dma source(%dma_start3A_232 : memref<32x128xf32, #tpu.memory_space<vmem>>) target(%dma_start3A_229 : memref<32x128xf32, #tpu.memory_space<hbm>>) target_semaphore(%arg9 : memref<!tpu.dma_semaphore, #tpu.memory_space<semaphore_mem>>)
    %dma_wait3A_233 = arith.constant 2 : i32
    %dma_wait3A_234 = arith.constant 64 : i32
    %dma_wait3A_235 = arith.constant 0 : i32
    %dma_wait3A_236 = tpu.memref_slice %arg6[%dma_wait3A_234, %dma_wait3A_235] : memref<512x128xf32, #tpu.memory_space<vmem>> -> memref<32x128xf32, #tpu.memory_space<vmem>>
    %dma_wait3A_237 = arith.constant 64 : i32
    %dma_wait3A_238 = tpu.memref_slice %arg5[%dma_wait3A_237] : memref<512xi32, #tpu.memory_space<vmem>> -> memref<32xi32, #tpu.memory_space<vmem>>
    %dma_wait3A_239 = arith.constant 0 : i32
    %dma_wait3A_240 = arith.constant 0 : i32
    %dma_wait3A_241 = tpu.memref_slice %arg7[%dma_wait3A_239, %dma_wait3A_240] : memref<1001x128xf32, #tpu.memory_space<vmem_shared>> -> memref<1001x128xf32, #tpu.memory_space<vmem_shared>>
    %dma_wait3A_242 = tpu.memref_slice %arg8[%dma_wait3A_233] : memref<16x!tpu.dma_semaphore, #tpu.memory_space<semaphore_mem>> -> memref<1x!tpu.dma_semaphore, #tpu.memory_space<semaphore_mem>>
    %dma_wait3A_243 = tpu.memref_squeeze %dma_wait3A_242 : memref<1x!tpu.dma_semaphore, #tpu.memory_space<semaphore_mem>> -> memref<!tpu.dma_semaphore, #tpu.memory_space<semaphore_mem>>
    tpu.wait_indirect_dma semaphore(%dma_wait3A_243 : memref<!tpu.dma_semaphore, #tpu.memory_space<semaphore_mem>>) src(%dma_wait3A_241 : memref<1001x128xf32, #tpu.memory_space<vmem_shared>>) dst(%dma_wait3A_236 : memref<32x128xf32, #tpu.memory_space<vmem>>)
    %add3A_244 = arith.constant 64 : i32
    %add3A_245 = arith.addi %mul3A_2, %add3A_244 : i32
    %dma_start3A_246 = arith.constant 64 : i32
    %dma_start3A_247 = arith.constant 0 : i32
    %dma_start3A_248 = tpu.memref_slice %arg6[%dma_start3A_246, %dma_start3A_247] : memref<512x128xf32, #tpu.memory_space<vmem>> -> memref<32x128xf32, #tpu.memory_space<vmem>>
    %dma_start3A_249 = arith.constant 0 : i32
    %dma_start3A_250 = tpu.memref_slice %arg4[%add3A_245, %dma_start3A_249] : memref<16384x128xf32, #tpu.memory_space<hbm>> -> memref<32x128xf32, #tpu.memory_space<hbm>>
    %dma_start3A_251 = arith.constant 0 : i32
    %dma_start3A_252 = tpu.memref_slice %arg4[%add3A_245, %dma_start3A_251] : memref<16384x128xf32, #tpu.memory_space<hbm>> -> memref<32x128xf32, #tpu.memory_space<hbm>>
    %dma_start3A_253 = arith.constant 64 : i32
    %dma_start3A_254 = arith.constant 0 : i32
    %dma_start3A_255 = tpu.memref_slice %arg6[%dma_start3A_253, %dma_start3A_254] : memref<512x128xf32, #tpu.memory_space<vmem>> -> memref<32x128xf32, #tpu.memory_space<vmem>>
    tpu.enqueue_dma source(%dma_start3A_255 : memref<32x128xf32, #tpu.memory_space<vmem>>) target(%dma_start3A_252 : memref<32x128xf32, #tpu.memory_space<hbm>>) target_semaphore(%arg9 : memref<!tpu.dma_semaphore, #tpu.memory_space<semaphore_mem>>)
    %dma_wait3A_256 = arith.constant 3 : i32
    %dma_wait3A_257 = arith.constant 96 : i32
    %dma_wait3A_258 = arith.constant 0 : i32
    %dma_wait3A_259 = tpu.memref_slice %arg6[%dma_wait3A_257, %dma_wait3A_258] : memref<512x128xf32, #tpu.memory_space<vmem>> -> memref<32x128xf32, #tpu.memory_space<vmem>>
    %dma_wait3A_260 = arith.constant 96 : i32
    %dma_wait3A_261 = tpu.memref_slice %arg5[%dma_wait3A_260] : memref<512xi32, #tpu.memory_space<vmem>> -> memref<32xi32, #tpu.memory_space<vmem>>
    %dma_wait3A_262 = arith.constant 0 : i32
    %dma_wait3A_263 = arith.constant 0 : i32
    %dma_wait3A_264 = tpu.memref_slice %arg7[%dma_wait3A_262, %dma_wait3A_263] : memref<1001x128xf32, #tpu.memory_space<vmem_shared>> -> memref<1001x128xf32, #tpu.memory_space<vmem_shared>>
    %dma_wait3A_265 = tpu.memref_slice %arg8[%dma_wait3A_256] : memref<16x!tpu.dma_semaphore, #tpu.memory_space<semaphore_mem>> -> memref<1x!tpu.dma_semaphore, #tpu.memory_space<semaphore_mem>>
    %dma_wait3A_266 = tpu.memref_squeeze %dma_wait3A_265 : memref<1x!tpu.dma_semaphore, #tpu.memory_space<semaphore_mem>> -> memref<!tpu.dma_semaphore, #tpu.memory_space<semaphore_mem>>
    tpu.wait_indirect_dma semaphore(%dma_wait3A_266 : memref<!tpu.dma_semaphore, #tpu.memory_space<semaphore_mem>>) src(%dma_wait3A_264 : memref<1001x128xf32, #tpu.memory_space<vmem_shared>>) dst(%dma_wait3A_259 : memref<32x128xf32, #tpu.memory_space<vmem>>)
    %add3A_267 = arith.constant 96 : i32
    %add3A_268 = arith.addi %mul3A_2, %add3A_267 : i32
    %dma_start3A_269 = arith.constant 96 : i32
    %dma_start3A_270 = arith.constant 0 : i32
    %dma_start3A_271 = tpu.memref_slice %arg6[%dma_start3A_269, %dma_start3A_270] : memref<512x128xf32, #tpu.memory_space<vmem>> -> memref<32x128xf32, #tpu.memory_space<vmem>>
    %dma_start3A_272 = arith.constant 0 : i32
    %dma_start3A_273 = tpu.memref_slice %arg4[%add3A_268, %dma_start3A_272] : memref<16384x128xf32, #tpu.memory_space<hbm>> -> memref<32x128xf32, #tpu.memory_space<hbm>>
    %dma_start3A_274 = arith.constant 0 : i32
    %dma_start3A_275 = tpu.memref_slice %arg4[%add3A_268, %dma_start3A_274] : memref<16384x128xf32, #tpu.memory_space<hbm>> -> memref<32x128xf32, #tpu.memory_space<hbm>>
    %dma_start3A_276 = arith.constant 96 : i32
    %dma_start3A_277 = arith.constant 0 : i32
    %dma_start3A_278 = tpu.memref_slice %arg6[%dma_start3A_276, %dma_start3A_277] : memref<512x128xf32, #tpu.memory_space<vmem>> -> memref<32x128xf32, #tpu.memory_space<vmem>>
    tpu.enqueue_dma source(%dma_start3A_278 : memref<32x128xf32, #tpu.memory_space<vmem>>) target(%dma_start3A_275 : memref<32x128xf32, #tpu.memory_space<hbm>>) target_semaphore(%arg9 : memref<!tpu.dma_semaphore, #tpu.memory_space<semaphore_mem>>)
    %dma_wait3A_279 = arith.constant 4 : i32
    %dma_wait3A_280 = arith.constant 128 : i32
    %dma_wait3A_281 = arith.constant 0 : i32
    %dma_wait3A_282 = tpu.memref_slice %arg6[%dma_wait3A_280, %dma_wait3A_281] : memref<512x128xf32, #tpu.memory_space<vmem>> -> memref<32x128xf32, #tpu.memory_space<vmem>>
    %dma_wait3A_283 = arith.constant 128 : i32
    %dma_wait3A_284 = tpu.memref_slice %arg5[%dma_wait3A_283] : memref<512xi32, #tpu.memory_space<vmem>> -> memref<32xi32, #tpu.memory_space<vmem>>
    %dma_wait3A_285 = arith.constant 0 : i32
    %dma_wait3A_286 = arith.constant 0 : i32
    %dma_wait3A_287 = tpu.memref_slice %arg7[%dma_wait3A_285, %dma_wait3A_286] : memref<1001x128xf32, #tpu.memory_space<vmem_shared>> -> memref<1001x128xf32, #tpu.memory_space<vmem_shared>>
    %dma_wait3A_288 = tpu.memref_slice %arg8[%dma_wait3A_279] : memref<16x!tpu.dma_semaphore, #tpu.memory_space<semaphore_mem>> -> memref<1x!tpu.dma_semaphore, #tpu.memory_space<semaphore_mem>>
    %dma_wait3A_289 = tpu.memref_squeeze %dma_wait3A_288 : memref<1x!tpu.dma_semaphore, #tpu.memory_space<semaphore_mem>> -> memref<!tpu.dma_semaphore, #tpu.memory_space<semaphore_mem>>
    tpu.wait_indirect_dma semaphore(%dma_wait3A_289 : memref<!tpu.dma_semaphore, #tpu.memory_space<semaphore_mem>>) src(%dma_wait3A_287 : memref<1001x128xf32, #tpu.memory_space<vmem_shared>>) dst(%dma_wait3A_282 : memref<32x128xf32, #tpu.memory_space<vmem>>)
    %add3A_290 = arith.constant 128 : i32
    %add3A_291 = arith.addi %mul3A_2, %add3A_290 : i32
    %dma_start3A_292 = arith.constant 128 : i32
    %dma_start3A_293 = arith.constant 0 : i32
    %dma_start3A_294 = tpu.memref_slice %arg6[%dma_start3A_292, %dma_start3A_293] : memref<512x128xf32, #tpu.memory_space<vmem>> -> memref<32x128xf32, #tpu.memory_space<vmem>>
    %dma_start3A_295 = arith.constant 0 : i32
    %dma_start3A_296 = tpu.memref_slice %arg4[%add3A_291, %dma_start3A_295] : memref<16384x128xf32, #tpu.memory_space<hbm>> -> memref<32x128xf32, #tpu.memory_space<hbm>>
    %dma_start3A_297 = arith.constant 0 : i32
    %dma_start3A_298 = tpu.memref_slice %arg4[%add3A_291, %dma_start3A_297] : memref<16384x128xf32, #tpu.memory_space<hbm>> -> memref<32x128xf32, #tpu.memory_space<hbm>>
    %dma_start3A_299 = arith.constant 128 : i32
    %dma_start3A_300 = arith.constant 0 : i32
    %dma_start3A_301 = tpu.memref_slice %arg6[%dma_start3A_299, %dma_start3A_300] : memref<512x128xf32, #tpu.memory_space<vmem>> -> memref<32x128xf32, #tpu.memory_space<vmem>>
    tpu.enqueue_dma source(%dma_start3A_301 : memref<32x128xf32, #tpu.memory_space<vmem>>) target(%dma_start3A_298 : memref<32x128xf32, #tpu.memory_space<hbm>>) target_semaphore(%arg9 : memref<!tpu.dma_semaphore, #tpu.memory_space<semaphore_mem>>)
    %dma_wait3A_302 = arith.constant 5 : i32
    %dma_wait3A_303 = arith.constant 160 : i32
    %dma_wait3A_304 = arith.constant 0 : i32
    %dma_wait3A_305 = tpu.memref_slice %arg6[%dma_wait3A_303, %dma_wait3A_304] : memref<512x128xf32, #tpu.memory_space<vmem>> -> memref<32x128xf32, #tpu.memory_space<vmem>>
    %dma_wait3A_306 = arith.constant 160 : i32
    %dma_wait3A_307 = tpu.memref_slice %arg5[%dma_wait3A_306] : memref<512xi32, #tpu.memory_space<vmem>> -> memref<32xi32, #tpu.memory_space<vmem>>
    %dma_wait3A_308 = arith.constant 0 : i32
    %dma_wait3A_309 = arith.constant 0 : i32
    %dma_wait3A_310 = tpu.memref_slice %arg7[%dma_wait3A_308, %dma_wait3A_309] : memref<1001x128xf32, #tpu.memory_space<vmem_shared>> -> memref<1001x128xf32, #tpu.memory_space<vmem_shared>>
    %dma_wait3A_311 = tpu.memref_slice %arg8[%dma_wait3A_302] : memref<16x!tpu.dma_semaphore, #tpu.memory_space<semaphore_mem>> -> memref<1x!tpu.dma_semaphore, #tpu.memory_space<semaphore_mem>>
    %dma_wait3A_312 = tpu.memref_squeeze %dma_wait3A_311 : memref<1x!tpu.dma_semaphore, #tpu.memory_space<semaphore_mem>> -> memref<!tpu.dma_semaphore, #tpu.memory_space<semaphore_mem>>
    tpu.wait_indirect_dma semaphore(%dma_wait3A_312 : memref<!tpu.dma_semaphore, #tpu.memory_space<semaphore_mem>>) src(%dma_wait3A_310 : memref<1001x128xf32, #tpu.memory_space<vmem_shared>>) dst(%dma_wait3A_305 : memref<32x128xf32, #tpu.memory_space<vmem>>)
    %add3A_313 = arith.constant 160 : i32
    %add3A_314 = arith.addi %mul3A_2, %add3A_313 : i32
    %dma_start3A_315 = arith.constant 160 : i32
    %dma_start3A_316 = arith.constant 0 : i32
    %dma_start3A_317 = tpu.memref_slice %arg6[%dma_start3A_315, %dma_start3A_316] : memref<512x128xf32, #tpu.memory_space<vmem>> -> memref<32x128xf32, #tpu.memory_space<vmem>>
    %dma_start3A_318 = arith.constant 0 : i32
    %dma_start3A_319 = tpu.memref_slice %arg4[%add3A_314, %dma_start3A_318] : memref<16384x128xf32, #tpu.memory_space<hbm>> -> memref<32x128xf32, #tpu.memory_space<hbm>>
    %dma_start3A_320 = arith.constant 0 : i32
    %dma_start3A_321 = tpu.memref_slice %arg4[%add3A_314, %dma_start3A_320] : memref<16384x128xf32, #tpu.memory_space<hbm>> -> memref<32x128xf32, #tpu.memory_space<hbm>>
    %dma_start3A_322 = arith.constant 160 : i32
    %dma_start3A_323 = arith.constant 0 : i32
    %dma_start3A_324 = tpu.memref_slice %arg6[%dma_start3A_322, %dma_start3A_323] : memref<512x128xf32, #tpu.memory_space<vmem>> -> memref<32x128xf32, #tpu.memory_space<vmem>>
    tpu.enqueue_dma source(%dma_start3A_324 : memref<32x128xf32, #tpu.memory_space<vmem>>) target(%dma_start3A_321 : memref<32x128xf32, #tpu.memory_space<hbm>>) target_semaphore(%arg9 : memref<!tpu.dma_semaphore, #tpu.memory_space<semaphore_mem>>)
    %dma_wait3A_325 = arith.constant 6 : i32
    %dma_wait3A_326 = arith.constant 192 : i32
    %dma_wait3A_327 = arith.constant 0 : i32
    %dma_wait3A_328 = tpu.memref_slice %arg6[%dma_wait3A_326, %dma_wait3A_327] : memref<512x128xf32, #tpu.memory_space<vmem>> -> memref<32x128xf32, #tpu.memory_space<vmem>>
    %dma_wait3A_329 = arith.constant 192 : i32
    %dma_wait3A_330 = tpu.memref_slice %arg5[%dma_wait3A_329] : memref<512xi32, #tpu.memory_space<vmem>> -> memref<32xi32, #tpu.memory_space<vmem>>
    %dma_wait3A_331 = arith.constant 0 : i32
    %dma_wait3A_332 = arith.constant 0 : i32
    %dma_wait3A_333 = tpu.memref_slice %arg7[%dma_wait3A_331, %dma_wait3A_332] : memref<1001x128xf32, #tpu.memory_space<vmem_shared>> -> memref<1001x128xf32, #tpu.memory_space<vmem_shared>>
    %dma_wait3A_334 = tpu.memref_slice %arg8[%dma_wait3A_325] : memref<16x!tpu.dma_semaphore, #tpu.memory_space<semaphore_mem>> -> memref<1x!tpu.dma_semaphore, #tpu.memory_space<semaphore_mem>>
    %dma_wait3A_335 = tpu.memref_squeeze %dma_wait3A_334 : memref<1x!tpu.dma_semaphore, #tpu.memory_space<semaphore_mem>> -> memref<!tpu.dma_semaphore, #tpu.memory_space<semaphore_mem>>
    tpu.wait_indirect_dma semaphore(%dma_wait3A_335 : memref<!tpu.dma_semaphore, #tpu.memory_space<semaphore_mem>>) src(%dma_wait3A_333 : memref<1001x128xf32, #tpu.memory_space<vmem_shared>>) dst(%dma_wait3A_328 : memref<32x128xf32, #tpu.memory_space<vmem>>)
    %add3A_336 = arith.constant 192 : i32
    %add3A_337 = arith.addi %mul3A_2, %add3A_336 : i32
    %dma_start3A_338 = arith.constant 192 : i32
    %dma_start3A_339 = arith.constant 0 : i32
    %dma_start3A_340 = tpu.memref_slice %arg6[%dma_start3A_338, %dma_start3A_339] : memref<512x128xf32, #tpu.memory_space<vmem>> -> memref<32x128xf32, #tpu.memory_space<vmem>>
    %dma_start3A_341 = arith.constant 0 : i32
    %dma_start3A_342 = tpu.memref_slice %arg4[%add3A_337, %dma_start3A_341] : memref<16384x128xf32, #tpu.memory_space<hbm>> -> memref<32x128xf32, #tpu.memory_space<hbm>>
    %dma_start3A_343 = arith.constant 0 : i32
    %dma_start3A_344 = tpu.memref_slice %arg4[%add3A_337, %dma_start3A_343] : memref<16384x128xf32, #tpu.memory_space<hbm>> -> memref<32x128xf32, #tpu.memory_space<hbm>>
    %dma_start3A_345 = arith.constant 192 : i32
    %dma_start3A_346 = arith.constant 0 : i32
    %dma_start3A_347 = tpu.memref_slice %arg6[%dma_start3A_345, %dma_start3A_346] : memref<512x128xf32, #tpu.memory_space<vmem>> -> memref<32x128xf32, #tpu.memory_space<vmem>>
    tpu.enqueue_dma source(%dma_start3A_347 : memref<32x128xf32, #tpu.memory_space<vmem>>) target(%dma_start3A_344 : memref<32x128xf32, #tpu.memory_space<hbm>>) target_semaphore(%arg9 : memref<!tpu.dma_semaphore, #tpu.memory_space<semaphore_mem>>)
    %dma_wait3A_348 = arith.constant 7 : i32
    %dma_wait3A_349 = arith.constant 224 : i32
    %dma_wait3A_350 = arith.constant 0 : i32
    %dma_wait3A_351 = tpu.memref_slice %arg6[%dma_wait3A_349, %dma_wait3A_350] : memref<512x128xf32, #tpu.memory_space<vmem>> -> memref<32x128xf32, #tpu.memory_space<vmem>>
    %dma_wait3A_352 = arith.constant 224 : i32
    %dma_wait3A_353 = tpu.memref_slice %arg5[%dma_wait3A_352] : memref<512xi32, #tpu.memory_space<vmem>> -> memref<32xi32, #tpu.memory_space<vmem>>
    %dma_wait3A_354 = arith.constant 0 : i32
    %dma_wait3A_355 = arith.constant 0 : i32
    %dma_wait3A_356 = tpu.memref_slice %arg7[%dma_wait3A_354, %dma_wait3A_355] : memref<1001x128xf32, #tpu.memory_space<vmem_shared>> -> memref<1001x128xf32, #tpu.memory_space<vmem_shared>>
    %dma_wait3A_357 = tpu.memref_slice %arg8[%dma_wait3A_348] : memref<16x!tpu.dma_semaphore, #tpu.memory_space<semaphore_mem>> -> memref<1x!tpu.dma_semaphore, #tpu.memory_space<semaphore_mem>>
    %dma_wait3A_358 = tpu.memref_squeeze %dma_wait3A_357 : memref<1x!tpu.dma_semaphore, #tpu.memory_space<semaphore_mem>> -> memref<!tpu.dma_semaphore, #tpu.memory_space<semaphore_mem>>
    tpu.wait_indirect_dma semaphore(%dma_wait3A_358 : memref<!tpu.dma_semaphore, #tpu.memory_space<semaphore_mem>>) src(%dma_wait3A_356 : memref<1001x128xf32, #tpu.memory_space<vmem_shared>>) dst(%dma_wait3A_351 : memref<32x128xf32, #tpu.memory_space<vmem>>)
    %add3A_359 = arith.constant 224 : i32
    %add3A_360 = arith.addi %mul3A_2, %add3A_359 : i32
    %dma_start3A_361 = arith.constant 224 : i32
    %dma_start3A_362 = arith.constant 0 : i32
    %dma_start3A_363 = tpu.memref_slice %arg6[%dma_start3A_361, %dma_start3A_362] : memref<512x128xf32, #tpu.memory_space<vmem>> -> memref<32x128xf32, #tpu.memory_space<vmem>>
    %dma_start3A_364 = arith.constant 0 : i32
    %dma_start3A_365 = tpu.memref_slice %arg4[%add3A_360, %dma_start3A_364] : memref<16384x128xf32, #tpu.memory_space<hbm>> -> memref<32x128xf32, #tpu.memory_space<hbm>>
    %dma_start3A_366 = arith.constant 0 : i32
    %dma_start3A_367 = tpu.memref_slice %arg4[%add3A_360, %dma_start3A_366] : memref<16384x128xf32, #tpu.memory_space<hbm>> -> memref<32x128xf32, #tpu.memory_space<hbm>>
    %dma_start3A_368 = arith.constant 224 : i32
    %dma_start3A_369 = arith.constant 0 : i32
    %dma_start3A_370 = tpu.memref_slice %arg6[%dma_start3A_368, %dma_start3A_369] : memref<512x128xf32, #tpu.memory_space<vmem>> -> memref<32x128xf32, #tpu.memory_space<vmem>>
    tpu.enqueue_dma source(%dma_start3A_370 : memref<32x128xf32, #tpu.memory_space<vmem>>) target(%dma_start3A_367 : memref<32x128xf32, #tpu.memory_space<hbm>>) target_semaphore(%arg9 : memref<!tpu.dma_semaphore, #tpu.memory_space<semaphore_mem>>)
    %dma_wait3A_371 = arith.constant 8 : i32
    %dma_wait3A_372 = arith.constant 256 : i32
    %dma_wait3A_373 = arith.constant 0 : i32
    %dma_wait3A_374 = tpu.memref_slice %arg6[%dma_wait3A_372, %dma_wait3A_373] : memref<512x128xf32, #tpu.memory_space<vmem>> -> memref<32x128xf32, #tpu.memory_space<vmem>>
    %dma_wait3A_375 = arith.constant 256 : i32
    %dma_wait3A_376 = tpu.memref_slice %arg5[%dma_wait3A_375] : memref<512xi32, #tpu.memory_space<vmem>> -> memref<32xi32, #tpu.memory_space<vmem>>
    %dma_wait3A_377 = arith.constant 0 : i32
    %dma_wait3A_378 = arith.constant 0 : i32
    %dma_wait3A_379 = tpu.memref_slice %arg7[%dma_wait3A_377, %dma_wait3A_378] : memref<1001x128xf32, #tpu.memory_space<vmem_shared>> -> memref<1001x128xf32, #tpu.memory_space<vmem_shared>>
    %dma_wait3A_380 = tpu.memref_slice %arg8[%dma_wait3A_371] : memref<16x!tpu.dma_semaphore, #tpu.memory_space<semaphore_mem>> -> memref<1x!tpu.dma_semaphore, #tpu.memory_space<semaphore_mem>>
    %dma_wait3A_381 = tpu.memref_squeeze %dma_wait3A_380 : memref<1x!tpu.dma_semaphore, #tpu.memory_space<semaphore_mem>> -> memref<!tpu.dma_semaphore, #tpu.memory_space<semaphore_mem>>
    tpu.wait_indirect_dma semaphore(%dma_wait3A_381 : memref<!tpu.dma_semaphore, #tpu.memory_space<semaphore_mem>>) src(%dma_wait3A_379 : memref<1001x128xf32, #tpu.memory_space<vmem_shared>>) dst(%dma_wait3A_374 : memref<32x128xf32, #tpu.memory_space<vmem>>)
    %add3A_382 = arith.constant 256 : i32
    %add3A_383 = arith.addi %mul3A_2, %add3A_382 : i32
    %dma_start3A_384 = arith.constant 256 : i32
    %dma_start3A_385 = arith.constant 0 : i32
    %dma_start3A_386 = tpu.memref_slice %arg6[%dma_start3A_384, %dma_start3A_385] : memref<512x128xf32, #tpu.memory_space<vmem>> -> memref<32x128xf32, #tpu.memory_space<vmem>>
    %dma_start3A_387 = arith.constant 0 : i32
    %dma_start3A_388 = tpu.memref_slice %arg4[%add3A_383, %dma_start3A_387] : memref<16384x128xf32, #tpu.memory_space<hbm>> -> memref<32x128xf32, #tpu.memory_space<hbm>>
    %dma_start3A_389 = arith.constant 0 : i32
    %dma_start3A_390 = tpu.memref_slice %arg4[%add3A_383, %dma_start3A_389] : memref<16384x128xf32, #tpu.memory_space<hbm>> -> memref<32x128xf32, #tpu.memory_space<hbm>>
    %dma_start3A_391 = arith.constant 256 : i32
    %dma_start3A_392 = arith.constant 0 : i32
    %dma_start3A_393 = tpu.memref_slice %arg6[%dma_start3A_391, %dma_start3A_392] : memref<512x128xf32, #tpu.memory_space<vmem>> -> memref<32x128xf32, #tpu.memory_space<vmem>>
    tpu.enqueue_dma source(%dma_start3A_393 : memref<32x128xf32, #tpu.memory_space<vmem>>) target(%dma_start3A_390 : memref<32x128xf32, #tpu.memory_space<hbm>>) target_semaphore(%arg9 : memref<!tpu.dma_semaphore, #tpu.memory_space<semaphore_mem>>)
    %dma_wait3A_394 = arith.constant 9 : i32
    %dma_wait3A_395 = arith.constant 288 : i32
    %dma_wait3A_396 = arith.constant 0 : i32
    %dma_wait3A_397 = tpu.memref_slice %arg6[%dma_wait3A_395, %dma_wait3A_396] : memref<512x128xf32, #tpu.memory_space<vmem>> -> memref<32x128xf32, #tpu.memory_space<vmem>>
    %dma_wait3A_398 = arith.constant 288 : i32
    %dma_wait3A_399 = tpu.memref_slice %arg5[%dma_wait3A_398] : memref<512xi32, #tpu.memory_space<vmem>> -> memref<32xi32, #tpu.memory_space<vmem>>
    %dma_wait3A_400 = arith.constant 0 : i32
    %dma_wait3A_401 = arith.constant 0 : i32
    %dma_wait3A_402 = tpu.memref_slice %arg7[%dma_wait3A_400, %dma_wait3A_401] : memref<1001x128xf32, #tpu.memory_space<vmem_shared>> -> memref<1001x128xf32, #tpu.memory_space<vmem_shared>>
    %dma_wait3A_403 = tpu.memref_slice %arg8[%dma_wait3A_394] : memref<16x!tpu.dma_semaphore, #tpu.memory_space<semaphore_mem>> -> memref<1x!tpu.dma_semaphore, #tpu.memory_space<semaphore_mem>>
    %dma_wait3A_404 = tpu.memref_squeeze %dma_wait3A_403 : memref<1x!tpu.dma_semaphore, #tpu.memory_space<semaphore_mem>> -> memref<!tpu.dma_semaphore, #tpu.memory_space<semaphore_mem>>
    tpu.wait_indirect_dma semaphore(%dma_wait3A_404 : memref<!tpu.dma_semaphore, #tpu.memory_space<semaphore_mem>>) src(%dma_wait3A_402 : memref<1001x128xf32, #tpu.memory_space<vmem_shared>>) dst(%dma_wait3A_397 : memref<32x128xf32, #tpu.memory_space<vmem>>)
    %add3A_405 = arith.constant 288 : i32
    %add3A_406 = arith.addi %mul3A_2, %add3A_405 : i32
    %dma_start3A_407 = arith.constant 288 : i32
    %dma_start3A_408 = arith.constant 0 : i32
    %dma_start3A_409 = tpu.memref_slice %arg6[%dma_start3A_407, %dma_start3A_408] : memref<512x128xf32, #tpu.memory_space<vmem>> -> memref<32x128xf32, #tpu.memory_space<vmem>>
    %dma_start3A_410 = arith.constant 0 : i32
    %dma_start3A_411 = tpu.memref_slice %arg4[%add3A_406, %dma_start3A_410] : memref<16384x128xf32, #tpu.memory_space<hbm>> -> memref<32x128xf32, #tpu.memory_space<hbm>>
    %dma_start3A_412 = arith.constant 0 : i32
    %dma_start3A_413 = tpu.memref_slice %arg4[%add3A_406, %dma_start3A_412] : memref<16384x128xf32, #tpu.memory_space<hbm>> -> memref<32x128xf32, #tpu.memory_space<hbm>>
    %dma_start3A_414 = arith.constant 288 : i32
    %dma_start3A_415 = arith.constant 0 : i32
    %dma_start3A_416 = tpu.memref_slice %arg6[%dma_start3A_414, %dma_start3A_415] : memref<512x128xf32, #tpu.memory_space<vmem>> -> memref<32x128xf32, #tpu.memory_space<vmem>>
    tpu.enqueue_dma source(%dma_start3A_416 : memref<32x128xf32, #tpu.memory_space<vmem>>) target(%dma_start3A_413 : memref<32x128xf32, #tpu.memory_space<hbm>>) target_semaphore(%arg9 : memref<!tpu.dma_semaphore, #tpu.memory_space<semaphore_mem>>)
    %dma_wait3A_417 = arith.constant 10 : i32
    %dma_wait3A_418 = arith.constant 320 : i32
    %dma_wait3A_419 = arith.constant 0 : i32
    %dma_wait3A_420 = tpu.memref_slice %arg6[%dma_wait3A_418, %dma_wait3A_419] : memref<512x128xf32, #tpu.memory_space<vmem>> -> memref<32x128xf32, #tpu.memory_space<vmem>>
    %dma_wait3A_421 = arith.constant 320 : i32
    %dma_wait3A_422 = tpu.memref_slice %arg5[%dma_wait3A_421] : memref<512xi32, #tpu.memory_space<vmem>> -> memref<32xi32, #tpu.memory_space<vmem>>
    %dma_wait3A_423 = arith.constant 0 : i32
    %dma_wait3A_424 = arith.constant 0 : i32
    %dma_wait3A_425 = tpu.memref_slice %arg7[%dma_wait3A_423, %dma_wait3A_424] : memref<1001x128xf32, #tpu.memory_space<vmem_shared>> -> memref<1001x128xf32, #tpu.memory_space<vmem_shared>>
    %dma_wait3A_426 = tpu.memref_slice %arg8[%dma_wait3A_417] : memref<16x!tpu.dma_semaphore, #tpu.memory_space<semaphore_mem>> -> memref<1x!tpu.dma_semaphore, #tpu.memory_space<semaphore_mem>>
    %dma_wait3A_427 = tpu.memref_squeeze %dma_wait3A_426 : memref<1x!tpu.dma_semaphore, #tpu.memory_space<semaphore_mem>> -> memref<!tpu.dma_semaphore, #tpu.memory_space<semaphore_mem>>
    tpu.wait_indirect_dma semaphore(%dma_wait3A_427 : memref<!tpu.dma_semaphore, #tpu.memory_space<semaphore_mem>>) src(%dma_wait3A_425 : memref<1001x128xf32, #tpu.memory_space<vmem_shared>>) dst(%dma_wait3A_420 : memref<32x128xf32, #tpu.memory_space<vmem>>)
    %add3A_428 = arith.constant 320 : i32
    %add3A_429 = arith.addi %mul3A_2, %add3A_428 : i32
    %dma_start3A_430 = arith.constant 320 : i32
    %dma_start3A_431 = arith.constant 0 : i32
    %dma_start3A_432 = tpu.memref_slice %arg6[%dma_start3A_430, %dma_start3A_431] : memref<512x128xf32, #tpu.memory_space<vmem>> -> memref<32x128xf32, #tpu.memory_space<vmem>>
    %dma_start3A_433 = arith.constant 0 : i32
    %dma_start3A_434 = tpu.memref_slice %arg4[%add3A_429, %dma_start3A_433] : memref<16384x128xf32, #tpu.memory_space<hbm>> -> memref<32x128xf32, #tpu.memory_space<hbm>>
    %dma_start3A_435 = arith.constant 0 : i32
    %dma_start3A_436 = tpu.memref_slice %arg4[%add3A_429, %dma_start3A_435] : memref<16384x128xf32, #tpu.memory_space<hbm>> -> memref<32x128xf32, #tpu.memory_space<hbm>>
    %dma_start3A_437 = arith.constant 320 : i32
    %dma_start3A_438 = arith.constant 0 : i32
    %dma_start3A_439 = tpu.memref_slice %arg6[%dma_start3A_437, %dma_start3A_438] : memref<512x128xf32, #tpu.memory_space<vmem>> -> memref<32x128xf32, #tpu.memory_space<vmem>>
    tpu.enqueue_dma source(%dma_start3A_439 : memref<32x128xf32, #tpu.memory_space<vmem>>) target(%dma_start3A_436 : memref<32x128xf32, #tpu.memory_space<hbm>>) target_semaphore(%arg9 : memref<!tpu.dma_semaphore, #tpu.memory_space<semaphore_mem>>)
    %dma_wait3A_440 = arith.constant 11 : i32
    %dma_wait3A_441 = arith.constant 352 : i32
    %dma_wait3A_442 = arith.constant 0 : i32
    %dma_wait3A_443 = tpu.memref_slice %arg6[%dma_wait3A_441, %dma_wait3A_442] : memref<512x128xf32, #tpu.memory_space<vmem>> -> memref<32x128xf32, #tpu.memory_space<vmem>>
    %dma_wait3A_444 = arith.constant 352 : i32
    %dma_wait3A_445 = tpu.memref_slice %arg5[%dma_wait3A_444] : memref<512xi32, #tpu.memory_space<vmem>> -> memref<32xi32, #tpu.memory_space<vmem>>
    %dma_wait3A_446 = arith.constant 0 : i32
    %dma_wait3A_447 = arith.constant 0 : i32
    %dma_wait3A_448 = tpu.memref_slice %arg7[%dma_wait3A_446, %dma_wait3A_447] : memref<1001x128xf32, #tpu.memory_space<vmem_shared>> -> memref<1001x128xf32, #tpu.memory_space<vmem_shared>>
    %dma_wait3A_449 = tpu.memref_slice %arg8[%dma_wait3A_440] : memref<16x!tpu.dma_semaphore, #tpu.memory_space<semaphore_mem>> -> memref<1x!tpu.dma_semaphore, #tpu.memory_space<semaphore_mem>>
    %dma_wait3A_450 = tpu.memref_squeeze %dma_wait3A_449 : memref<1x!tpu.dma_semaphore, #tpu.memory_space<semaphore_mem>> -> memref<!tpu.dma_semaphore, #tpu.memory_space<semaphore_mem>>
    tpu.wait_indirect_dma semaphore(%dma_wait3A_450 : memref<!tpu.dma_semaphore, #tpu.memory_space<semaphore_mem>>) src(%dma_wait3A_448 : memref<1001x128xf32, #tpu.memory_space<vmem_shared>>) dst(%dma_wait3A_443 : memref<32x128xf32, #tpu.memory_space<vmem>>)
    %add3A_451 = arith.constant 352 : i32
    %add3A_452 = arith.addi %mul3A_2, %add3A_451 : i32
    %dma_start3A_453 = arith.constant 352 : i32
    %dma_start3A_454 = arith.constant 0 : i32
    %dma_start3A_455 = tpu.memref_slice %arg6[%dma_start3A_453, %dma_start3A_454] : memref<512x128xf32, #tpu.memory_space<vmem>> -> memref<32x128xf32, #tpu.memory_space<vmem>>
    %dma_start3A_456 = arith.constant 0 : i32
    %dma_start3A_457 = tpu.memref_slice %arg4[%add3A_452, %dma_start3A_456] : memref<16384x128xf32, #tpu.memory_space<hbm>> -> memref<32x128xf32, #tpu.memory_space<hbm>>
    %dma_start3A_458 = arith.constant 0 : i32
    %dma_start3A_459 = tpu.memref_slice %arg4[%add3A_452, %dma_start3A_458] : memref<16384x128xf32, #tpu.memory_space<hbm>> -> memref<32x128xf32, #tpu.memory_space<hbm>>
    %dma_start3A_460 = arith.constant 352 : i32
    %dma_start3A_461 = arith.constant 0 : i32
    %dma_start3A_462 = tpu.memref_slice %arg6[%dma_start3A_460, %dma_start3A_461] : memref<512x128xf32, #tpu.memory_space<vmem>> -> memref<32x128xf32, #tpu.memory_space<vmem>>
    tpu.enqueue_dma source(%dma_start3A_462 : memref<32x128xf32, #tpu.memory_space<vmem>>) target(%dma_start3A_459 : memref<32x128xf32, #tpu.memory_space<hbm>>) target_semaphore(%arg9 : memref<!tpu.dma_semaphore, #tpu.memory_space<semaphore_mem>>)
    %dma_wait3A_463 = arith.constant 12 : i32
    %dma_wait3A_464 = arith.constant 384 : i32
    %dma_wait3A_465 = arith.constant 0 : i32
    %dma_wait3A_466 = tpu.memref_slice %arg6[%dma_wait3A_464, %dma_wait3A_465] : memref<512x128xf32, #tpu.memory_space<vmem>> -> memref<32x128xf32, #tpu.memory_space<vmem>>
    %dma_wait3A_467 = arith.constant 384 : i32
    %dma_wait3A_468 = tpu.memref_slice %arg5[%dma_wait3A_467] : memref<512xi32, #tpu.memory_space<vmem>> -> memref<32xi32, #tpu.memory_space<vmem>>
    %dma_wait3A_469 = arith.constant 0 : i32
    %dma_wait3A_470 = arith.constant 0 : i32
    %dma_wait3A_471 = tpu.memref_slice %arg7[%dma_wait3A_469, %dma_wait3A_470] : memref<1001x128xf32, #tpu.memory_space<vmem_shared>> -> memref<1001x128xf32, #tpu.memory_space<vmem_shared>>
    %dma_wait3A_472 = tpu.memref_slice %arg8[%dma_wait3A_463] : memref<16x!tpu.dma_semaphore, #tpu.memory_space<semaphore_mem>> -> memref<1x!tpu.dma_semaphore, #tpu.memory_space<semaphore_mem>>
    %dma_wait3A_473 = tpu.memref_squeeze %dma_wait3A_472 : memref<1x!tpu.dma_semaphore, #tpu.memory_space<semaphore_mem>> -> memref<!tpu.dma_semaphore, #tpu.memory_space<semaphore_mem>>
    tpu.wait_indirect_dma semaphore(%dma_wait3A_473 : memref<!tpu.dma_semaphore, #tpu.memory_space<semaphore_mem>>) src(%dma_wait3A_471 : memref<1001x128xf32, #tpu.memory_space<vmem_shared>>) dst(%dma_wait3A_466 : memref<32x128xf32, #tpu.memory_space<vmem>>)
    %add3A_474 = arith.constant 384 : i32
    %add3A_475 = arith.addi %mul3A_2, %add3A_474 : i32
    %dma_start3A_476 = arith.constant 384 : i32
    %dma_start3A_477 = arith.constant 0 : i32
    %dma_start3A_478 = tpu.memref_slice %arg6[%dma_start3A_476, %dma_start3A_477] : memref<512x128xf32, #tpu.memory_space<vmem>> -> memref<32x128xf32, #tpu.memory_space<vmem>>
    %dma_start3A_479 = arith.constant 0 : i32
    %dma_start3A_480 = tpu.memref_slice %arg4[%add3A_475, %dma_start3A_479] : memref<16384x128xf32, #tpu.memory_space<hbm>> -> memref<32x128xf32, #tpu.memory_space<hbm>>
    %dma_start3A_481 = arith.constant 0 : i32
    %dma_start3A_482 = tpu.memref_slice %arg4[%add3A_475, %dma_start3A_481] : memref<16384x128xf32, #tpu.memory_space<hbm>> -> memref<32x128xf32, #tpu.memory_space<hbm>>
    %dma_start3A_483 = arith.constant 384 : i32
    %dma_start3A_484 = arith.constant 0 : i32
    %dma_start3A_485 = tpu.memref_slice %arg6[%dma_start3A_483, %dma_start3A_484] : memref<512x128xf32, #tpu.memory_space<vmem>> -> memref<32x128xf32, #tpu.memory_space<vmem>>
    tpu.enqueue_dma source(%dma_start3A_485 : memref<32x128xf32, #tpu.memory_space<vmem>>) target(%dma_start3A_482 : memref<32x128xf32, #tpu.memory_space<hbm>>) target_semaphore(%arg9 : memref<!tpu.dma_semaphore, #tpu.memory_space<semaphore_mem>>)
    %dma_wait3A_486 = arith.constant 13 : i32
    %dma_wait3A_487 = arith.constant 416 : i32
    %dma_wait3A_488 = arith.constant 0 : i32
    %dma_wait3A_489 = tpu.memref_slice %arg6[%dma_wait3A_487, %dma_wait3A_488] : memref<512x128xf32, #tpu.memory_space<vmem>> -> memref<32x128xf32, #tpu.memory_space<vmem>>
    %dma_wait3A_490 = arith.constant 416 : i32
    %dma_wait3A_491 = tpu.memref_slice %arg5[%dma_wait3A_490] : memref<512xi32, #tpu.memory_space<vmem>> -> memref<32xi32, #tpu.memory_space<vmem>>
    %dma_wait3A_492 = arith.constant 0 : i32
    %dma_wait3A_493 = arith.constant 0 : i32
    %dma_wait3A_494 = tpu.memref_slice %arg7[%dma_wait3A_492, %dma_wait3A_493] : memref<1001x128xf32, #tpu.memory_space<vmem_shared>> -> memref<1001x128xf32, #tpu.memory_space<vmem_shared>>
    %dma_wait3A_495 = tpu.memref_slice %arg8[%dma_wait3A_486] : memref<16x!tpu.dma_semaphore, #tpu.memory_space<semaphore_mem>> -> memref<1x!tpu.dma_semaphore, #tpu.memory_space<semaphore_mem>>
    %dma_wait3A_496 = tpu.memref_squeeze %dma_wait3A_495 : memref<1x!tpu.dma_semaphore, #tpu.memory_space<semaphore_mem>> -> memref<!tpu.dma_semaphore, #tpu.memory_space<semaphore_mem>>
    tpu.wait_indirect_dma semaphore(%dma_wait3A_496 : memref<!tpu.dma_semaphore, #tpu.memory_space<semaphore_mem>>) src(%dma_wait3A_494 : memref<1001x128xf32, #tpu.memory_space<vmem_shared>>) dst(%dma_wait3A_489 : memref<32x128xf32, #tpu.memory_space<vmem>>)
    %add3A_497 = arith.constant 416 : i32
    %add3A_498 = arith.addi %mul3A_2, %add3A_497 : i32
    %dma_start3A_499 = arith.constant 416 : i32
    %dma_start3A_500 = arith.constant 0 : i32
    %dma_start3A_501 = tpu.memref_slice %arg6[%dma_start3A_499, %dma_start3A_500] : memref<512x128xf32, #tpu.memory_space<vmem>> -> memref<32x128xf32, #tpu.memory_space<vmem>>
    %dma_start3A_502 = arith.constant 0 : i32
    %dma_start3A_503 = tpu.memref_slice %arg4[%add3A_498, %dma_start3A_502] : memref<16384x128xf32, #tpu.memory_space<hbm>> -> memref<32x128xf32, #tpu.memory_space<hbm>>
    %dma_start3A_504 = arith.constant 0 : i32
    %dma_start3A_505 = tpu.memref_slice %arg4[%add3A_498, %dma_start3A_504] : memref<16384x128xf32, #tpu.memory_space<hbm>> -> memref<32x128xf32, #tpu.memory_space<hbm>>
    %dma_start3A_506 = arith.constant 416 : i32
    %dma_start3A_507 = arith.constant 0 : i32
    %dma_start3A_508 = tpu.memref_slice %arg6[%dma_start3A_506, %dma_start3A_507] : memref<512x128xf32, #tpu.memory_space<vmem>> -> memref<32x128xf32, #tpu.memory_space<vmem>>
    tpu.enqueue_dma source(%dma_start3A_508 : memref<32x128xf32, #tpu.memory_space<vmem>>) target(%dma_start3A_505 : memref<32x128xf32, #tpu.memory_space<hbm>>) target_semaphore(%arg9 : memref<!tpu.dma_semaphore, #tpu.memory_space<semaphore_mem>>)
    %dma_wait3A_509 = arith.constant 14 : i32
    %dma_wait3A_510 = arith.constant 448 : i32
    %dma_wait3A_511 = arith.constant 0 : i32
    %dma_wait3A_512 = tpu.memref_slice %arg6[%dma_wait3A_510, %dma_wait3A_511] : memref<512x128xf32, #tpu.memory_space<vmem>> -> memref<32x128xf32, #tpu.memory_space<vmem>>
    %dma_wait3A_513 = arith.constant 448 : i32
    %dma_wait3A_514 = tpu.memref_slice %arg5[%dma_wait3A_513] : memref<512xi32, #tpu.memory_space<vmem>> -> memref<32xi32, #tpu.memory_space<vmem>>
    %dma_wait3A_515 = arith.constant 0 : i32
    %dma_wait3A_516 = arith.constant 0 : i32
    %dma_wait3A_517 = tpu.memref_slice %arg7[%dma_wait3A_515, %dma_wait3A_516] : memref<1001x128xf32, #tpu.memory_space<vmem_shared>> -> memref<1001x128xf32, #tpu.memory_space<vmem_shared>>
    %dma_wait3A_518 = tpu.memref_slice %arg8[%dma_wait3A_509] : memref<16x!tpu.dma_semaphore, #tpu.memory_space<semaphore_mem>> -> memref<1x!tpu.dma_semaphore, #tpu.memory_space<semaphore_mem>>
    %dma_wait3A_519 = tpu.memref_squeeze %dma_wait3A_518 : memref<1x!tpu.dma_semaphore, #tpu.memory_space<semaphore_mem>> -> memref<!tpu.dma_semaphore, #tpu.memory_space<semaphore_mem>>
    tpu.wait_indirect_dma semaphore(%dma_wait3A_519 : memref<!tpu.dma_semaphore, #tpu.memory_space<semaphore_mem>>) src(%dma_wait3A_517 : memref<1001x128xf32, #tpu.memory_space<vmem_shared>>) dst(%dma_wait3A_512 : memref<32x128xf32, #tpu.memory_space<vmem>>)
    %add3A_520 = arith.constant 448 : i32
    %add3A_521 = arith.addi %mul3A_2, %add3A_520 : i32
    %dma_start3A_522 = arith.constant 448 : i32
    %dma_start3A_523 = arith.constant 0 : i32
    %dma_start3A_524 = tpu.memref_slice %arg6[%dma_start3A_522, %dma_start3A_523] : memref<512x128xf32, #tpu.memory_space<vmem>> -> memref<32x128xf32, #tpu.memory_space<vmem>>
    %dma_start3A_525 = arith.constant 0 : i32
    %dma_start3A_526 = tpu.memref_slice %arg4[%add3A_521, %dma_start3A_525] : memref<16384x128xf32, #tpu.memory_space<hbm>> -> memref<32x128xf32, #tpu.memory_space<hbm>>
    %dma_start3A_527 = arith.constant 0 : i32
    %dma_start3A_528 = tpu.memref_slice %arg4[%add3A_521, %dma_start3A_527] : memref<16384x128xf32, #tpu.memory_space<hbm>> -> memref<32x128xf32, #tpu.memory_space<hbm>>
    %dma_start3A_529 = arith.constant 448 : i32
    %dma_start3A_530 = arith.constant 0 : i32
    %dma_start3A_531 = tpu.memref_slice %arg6[%dma_start3A_529, %dma_start3A_530] : memref<512x128xf32, #tpu.memory_space<vmem>> -> memref<32x128xf32, #tpu.memory_space<vmem>>
    tpu.enqueue_dma source(%dma_start3A_531 : memref<32x128xf32, #tpu.memory_space<vmem>>) target(%dma_start3A_528 : memref<32x128xf32, #tpu.memory_space<hbm>>) target_semaphore(%arg9 : memref<!tpu.dma_semaphore, #tpu.memory_space<semaphore_mem>>)
    %dma_wait3A_532 = arith.constant 15 : i32
    %dma_wait3A_533 = arith.constant 480 : i32
    %dma_wait3A_534 = arith.constant 0 : i32
    %dma_wait3A_535 = tpu.memref_slice %arg6[%dma_wait3A_533, %dma_wait3A_534] : memref<512x128xf32, #tpu.memory_space<vmem>> -> memref<32x128xf32, #tpu.memory_space<vmem>>
    %dma_wait3A_536 = arith.constant 480 : i32
    %dma_wait3A_537 = tpu.memref_slice %arg5[%dma_wait3A_536] : memref<512xi32, #tpu.memory_space<vmem>> -> memref<32xi32, #tpu.memory_space<vmem>>
    %dma_wait3A_538 = arith.constant 0 : i32
    %dma_wait3A_539 = arith.constant 0 : i32
    %dma_wait3A_540 = tpu.memref_slice %arg7[%dma_wait3A_538, %dma_wait3A_539] : memref<1001x128xf32, #tpu.memory_space<vmem_shared>> -> memref<1001x128xf32, #tpu.memory_space<vmem_shared>>
    %dma_wait3A_541 = tpu.memref_slice %arg8[%dma_wait3A_532] : memref<16x!tpu.dma_semaphore, #tpu.memory_space<semaphore_mem>> -> memref<1x!tpu.dma_semaphore, #tpu.memory_space<semaphore_mem>>
    %dma_wait3A_542 = tpu.memref_squeeze %dma_wait3A_541 : memref<1x!tpu.dma_semaphore, #tpu.memory_space<semaphore_mem>> -> memref<!tpu.dma_semaphore, #tpu.memory_space<semaphore_mem>>
    tpu.wait_indirect_dma semaphore(%dma_wait3A_542 : memref<!tpu.dma_semaphore, #tpu.memory_space<semaphore_mem>>) src(%dma_wait3A_540 : memref<1001x128xf32, #tpu.memory_space<vmem_shared>>) dst(%dma_wait3A_535 : memref<32x128xf32, #tpu.memory_space<vmem>>)
    %add3A_543 = arith.constant 480 : i32
    %add3A_544 = arith.addi %mul3A_2, %add3A_543 : i32
    %dma_start3A_545 = arith.constant 480 : i32
    %dma_start3A_546 = arith.constant 0 : i32
    %dma_start3A_547 = tpu.memref_slice %arg6[%dma_start3A_545, %dma_start3A_546] : memref<512x128xf32, #tpu.memory_space<vmem>> -> memref<32x128xf32, #tpu.memory_space<vmem>>
    %dma_start3A_548 = arith.constant 0 : i32
    %dma_start3A_549 = tpu.memref_slice %arg4[%add3A_544, %dma_start3A_548] : memref<16384x128xf32, #tpu.memory_space<hbm>> -> memref<32x128xf32, #tpu.memory_space<hbm>>
    %dma_start3A_550 = arith.constant 0 : i32
    %dma_start3A_551 = tpu.memref_slice %arg4[%add3A_544, %dma_start3A_550] : memref<16384x128xf32, #tpu.memory_space<hbm>> -> memref<32x128xf32, #tpu.memory_space<hbm>>
    %dma_start3A_552 = arith.constant 480 : i32
    %dma_start3A_553 = arith.constant 0 : i32
    %dma_start3A_554 = tpu.memref_slice %arg6[%dma_start3A_552, %dma_start3A_553] : memref<512x128xf32, #tpu.memory_space<vmem>> -> memref<32x128xf32, #tpu.memory_space<vmem>>
    tpu.enqueue_dma source(%dma_start3A_554 : memref<32x128xf32, #tpu.memory_space<vmem>>) target(%dma_start3A_551 : memref<32x128xf32, #tpu.memory_space<hbm>>) target_semaphore(%arg9 : memref<!tpu.dma_semaphore, #tpu.memory_space<semaphore_mem>>)
    %dma_wait3A_555 = arith.constant 0 : i32
    %dma_wait3A_556 = arith.constant 0 : i32
    %dma_wait3A_557 = tpu.memref_slice %arg6[%dma_wait3A_555, %dma_wait3A_556] : memref<512x128xf32, #tpu.memory_space<vmem>> -> memref<32x128xf32, #tpu.memory_space<vmem>>
    %dma_wait3A_558 = arith.constant 0 : i32
    %dma_wait3A_559 = tpu.memref_slice %arg4[%add3A_199, %dma_wait3A_558] : memref<16384x128xf32, #tpu.memory_space<hbm>> -> memref<32x128xf32, #tpu.memory_space<hbm>>
    %dma_wait3A_560 = arith.constant 0 : i32
    %dma_wait3A_561 = tpu.memref_slice %arg4[%add3A_199, %dma_wait3A_560] : memref<16384x128xf32, #tpu.memory_space<hbm>> -> memref<32x128xf32, #tpu.memory_space<hbm>>
    %dma_wait3A_562 = arith.constant 0 : i32
    %dma_wait3A_563 = arith.constant 0 : i32
    %dma_wait3A_564 = tpu.memref_slice %arg6[%dma_wait3A_562, %dma_wait3A_563] : memref<512x128xf32, #tpu.memory_space<vmem>> -> memref<32x128xf32, #tpu.memory_space<vmem>>
    tpu.wait_dma2 semaphore(%arg9 : memref<!tpu.dma_semaphore, #tpu.memory_space<semaphore_mem>>) src(%dma_wait3A_564 : memref<32x128xf32, #tpu.memory_space<vmem>>) dst(%dma_wait3A_561 : memref<32x128xf32, #tpu.memory_space<hbm>>)
    %dma_wait3A_565 = arith.constant 32 : i32
    %dma_wait3A_566 = arith.constant 0 : i32
    %dma_wait3A_567 = tpu.memref_slice %arg6[%dma_wait3A_565, %dma_wait3A_566] : memref<512x128xf32, #tpu.memory_space<vmem>> -> memref<32x128xf32, #tpu.memory_space<vmem>>
    %dma_wait3A_568 = arith.constant 0 : i32
    %dma_wait3A_569 = tpu.memref_slice %arg4[%add3A_222, %dma_wait3A_568] : memref<16384x128xf32, #tpu.memory_space<hbm>> -> memref<32x128xf32, #tpu.memory_space<hbm>>
    %dma_wait3A_570 = arith.constant 0 : i32
    %dma_wait3A_571 = tpu.memref_slice %arg4[%add3A_222, %dma_wait3A_570] : memref<16384x128xf32, #tpu.memory_space<hbm>> -> memref<32x128xf32, #tpu.memory_space<hbm>>
    %dma_wait3A_572 = arith.constant 32 : i32
    %dma_wait3A_573 = arith.constant 0 : i32
    %dma_wait3A_574 = tpu.memref_slice %arg6[%dma_wait3A_572, %dma_wait3A_573] : memref<512x128xf32, #tpu.memory_space<vmem>> -> memref<32x128xf32, #tpu.memory_space<vmem>>
    tpu.wait_dma2 semaphore(%arg9 : memref<!tpu.dma_semaphore, #tpu.memory_space<semaphore_mem>>) src(%dma_wait3A_574 : memref<32x128xf32, #tpu.memory_space<vmem>>) dst(%dma_wait3A_571 : memref<32x128xf32, #tpu.memory_space<hbm>>)
    %dma_wait3A_575 = arith.constant 64 : i32
    %dma_wait3A_576 = arith.constant 0 : i32
    %dma_wait3A_577 = tpu.memref_slice %arg6[%dma_wait3A_575, %dma_wait3A_576] : memref<512x128xf32, #tpu.memory_space<vmem>> -> memref<32x128xf32, #tpu.memory_space<vmem>>
    %dma_wait3A_578 = arith.constant 0 : i32
    %dma_wait3A_579 = tpu.memref_slice %arg4[%add3A_245, %dma_wait3A_578] : memref<16384x128xf32, #tpu.memory_space<hbm>> -> memref<32x128xf32, #tpu.memory_space<hbm>>
    %dma_wait3A_580 = arith.constant 0 : i32
    %dma_wait3A_581 = tpu.memref_slice %arg4[%add3A_245, %dma_wait3A_580] : memref<16384x128xf32, #tpu.memory_space<hbm>> -> memref<32x128xf32, #tpu.memory_space<hbm>>
    %dma_wait3A_582 = arith.constant 64 : i32
    %dma_wait3A_583 = arith.constant 0 : i32
    %dma_wait3A_584 = tpu.memref_slice %arg6[%dma_wait3A_582, %dma_wait3A_583] : memref<512x128xf32, #tpu.memory_space<vmem>> -> memref<32x128xf32, #tpu.memory_space<vmem>>
    tpu.wait_dma2 semaphore(%arg9 : memref<!tpu.dma_semaphore, #tpu.memory_space<semaphore_mem>>) src(%dma_wait3A_584 : memref<32x128xf32, #tpu.memory_space<vmem>>) dst(%dma_wait3A_581 : memref<32x128xf32, #tpu.memory_space<hbm>>)
    %dma_wait3A_585 = arith.constant 96 : i32
    %dma_wait3A_586 = arith.constant 0 : i32
    %dma_wait3A_587 = tpu.memref_slice %arg6[%dma_wait3A_585, %dma_wait3A_586] : memref<512x128xf32, #tpu.memory_space<vmem>> -> memref<32x128xf32, #tpu.memory_space<vmem>>
    %dma_wait3A_588 = arith.constant 0 : i32
    %dma_wait3A_589 = tpu.memref_slice %arg4[%add3A_268, %dma_wait3A_588] : memref<16384x128xf32, #tpu.memory_space<hbm>> -> memref<32x128xf32, #tpu.memory_space<hbm>>
    %dma_wait3A_590 = arith.constant 0 : i32
    %dma_wait3A_591 = tpu.memref_slice %arg4[%add3A_268, %dma_wait3A_590] : memref<16384x128xf32, #tpu.memory_space<hbm>> -> memref<32x128xf32, #tpu.memory_space<hbm>>
    %dma_wait3A_592 = arith.constant 96 : i32
    %dma_wait3A_593 = arith.constant 0 : i32
    %dma_wait3A_594 = tpu.memref_slice %arg6[%dma_wait3A_592, %dma_wait3A_593] : memref<512x128xf32, #tpu.memory_space<vmem>> -> memref<32x128xf32, #tpu.memory_space<vmem>>
    tpu.wait_dma2 semaphore(%arg9 : memref<!tpu.dma_semaphore, #tpu.memory_space<semaphore_mem>>) src(%dma_wait3A_594 : memref<32x128xf32, #tpu.memory_space<vmem>>) dst(%dma_wait3A_591 : memref<32x128xf32, #tpu.memory_space<hbm>>)
    %dma_wait3A_595 = arith.constant 128 : i32
    %dma_wait3A_596 = arith.constant 0 : i32
    %dma_wait3A_597 = tpu.memref_slice %arg6[%dma_wait3A_595, %dma_wait3A_596] : memref<512x128xf32, #tpu.memory_space<vmem>> -> memref<32x128xf32, #tpu.memory_space<vmem>>
    %dma_wait3A_598 = arith.constant 0 : i32
    %dma_wait3A_599 = tpu.memref_slice %arg4[%add3A_291, %dma_wait3A_598] : memref<16384x128xf32, #tpu.memory_space<hbm>> -> memref<32x128xf32, #tpu.memory_space<hbm>>
    %dma_wait3A_600 = arith.constant 0 : i32
    %dma_wait3A_601 = tpu.memref_slice %arg4[%add3A_291, %dma_wait3A_600] : memref<16384x128xf32, #tpu.memory_space<hbm>> -> memref<32x128xf32, #tpu.memory_space<hbm>>
    %dma_wait3A_602 = arith.constant 128 : i32
    %dma_wait3A_603 = arith.constant 0 : i32
    %dma_wait3A_604 = tpu.memref_slice %arg6[%dma_wait3A_602, %dma_wait3A_603] : memref<512x128xf32, #tpu.memory_space<vmem>> -> memref<32x128xf32, #tpu.memory_space<vmem>>
    tpu.wait_dma2 semaphore(%arg9 : memref<!tpu.dma_semaphore, #tpu.memory_space<semaphore_mem>>) src(%dma_wait3A_604 : memref<32x128xf32, #tpu.memory_space<vmem>>) dst(%dma_wait3A_601 : memref<32x128xf32, #tpu.memory_space<hbm>>)
    %dma_wait3A_605 = arith.constant 160 : i32
    %dma_wait3A_606 = arith.constant 0 : i32
    %dma_wait3A_607 = tpu.memref_slice %arg6[%dma_wait3A_605, %dma_wait3A_606] : memref<512x128xf32, #tpu.memory_space<vmem>> -> memref<32x128xf32, #tpu.memory_space<vmem>>
    %dma_wait3A_608 = arith.constant 0 : i32
    %dma_wait3A_609 = tpu.memref_slice %arg4[%add3A_314, %dma_wait3A_608] : memref<16384x128xf32, #tpu.memory_space<hbm>> -> memref<32x128xf32, #tpu.memory_space<hbm>>
    %dma_wait3A_610 = arith.constant 0 : i32
    %dma_wait3A_611 = tpu.memref_slice %arg4[%add3A_314, %dma_wait3A_610] : memref<16384x128xf32, #tpu.memory_space<hbm>> -> memref<32x128xf32, #tpu.memory_space<hbm>>
    %dma_wait3A_612 = arith.constant 160 : i32
    %dma_wait3A_613 = arith.constant 0 : i32
    %dma_wait3A_614 = tpu.memref_slice %arg6[%dma_wait3A_612, %dma_wait3A_613] : memref<512x128xf32, #tpu.memory_space<vmem>> -> memref<32x128xf32, #tpu.memory_space<vmem>>
    tpu.wait_dma2 semaphore(%arg9 : memref<!tpu.dma_semaphore, #tpu.memory_space<semaphore_mem>>) src(%dma_wait3A_614 : memref<32x128xf32, #tpu.memory_space<vmem>>) dst(%dma_wait3A_611 : memref<32x128xf32, #tpu.memory_space<hbm>>)
    %dma_wait3A_615 = arith.constant 192 : i32
    %dma_wait3A_616 = arith.constant 0 : i32
    %dma_wait3A_617 = tpu.memref_slice %arg6[%dma_wait3A_615, %dma_wait3A_616] : memref<512x128xf32, #tpu.memory_space<vmem>> -> memref<32x128xf32, #tpu.memory_space<vmem>>
    %dma_wait3A_618 = arith.constant 0 : i32
    %dma_wait3A_619 = tpu.memref_slice %arg4[%add3A_337, %dma_wait3A_618] : memref<16384x128xf32, #tpu.memory_space<hbm>> -> memref<32x128xf32, #tpu.memory_space<hbm>>
    %dma_wait3A_620 = arith.constant 0 : i32
    %dma_wait3A_621 = tpu.memref_slice %arg4[%add3A_337, %dma_wait3A_620] : memref<16384x128xf32, #tpu.memory_space<hbm>> -> memref<32x128xf32, #tpu.memory_space<hbm>>
    %dma_wait3A_622 = arith.constant 192 : i32
    %dma_wait3A_623 = arith.constant 0 : i32
    %dma_wait3A_624 = tpu.memref_slice %arg6[%dma_wait3A_622, %dma_wait3A_623] : memref<512x128xf32, #tpu.memory_space<vmem>> -> memref<32x128xf32, #tpu.memory_space<vmem>>
    tpu.wait_dma2 semaphore(%arg9 : memref<!tpu.dma_semaphore, #tpu.memory_space<semaphore_mem>>) src(%dma_wait3A_624 : memref<32x128xf32, #tpu.memory_space<vmem>>) dst(%dma_wait3A_621 : memref<32x128xf32, #tpu.memory_space<hbm>>)
    %dma_wait3A_625 = arith.constant 224 : i32
    %dma_wait3A_626 = arith.constant 0 : i32
    %dma_wait3A_627 = tpu.memref_slice %arg6[%dma_wait3A_625, %dma_wait3A_626] : memref<512x128xf32, #tpu.memory_space<vmem>> -> memref<32x128xf32, #tpu.memory_space<vmem>>
    %dma_wait3A_628 = arith.constant 0 : i32
    %dma_wait3A_629 = tpu.memref_slice %arg4[%add3A_360, %dma_wait3A_628] : memref<16384x128xf32, #tpu.memory_space<hbm>> -> memref<32x128xf32, #tpu.memory_space<hbm>>
    %dma_wait3A_630 = arith.constant 0 : i32
    %dma_wait3A_631 = tpu.memref_slice %arg4[%add3A_360, %dma_wait3A_630] : memref<16384x128xf32, #tpu.memory_space<hbm>> -> memref<32x128xf32, #tpu.memory_space<hbm>>
    %dma_wait3A_632 = arith.constant 224 : i32
    %dma_wait3A_633 = arith.constant 0 : i32
    %dma_wait3A_634 = tpu.memref_slice %arg6[%dma_wait3A_632, %dma_wait3A_633] : memref<512x128xf32, #tpu.memory_space<vmem>> -> memref<32x128xf32, #tpu.memory_space<vmem>>
    tpu.wait_dma2 semaphore(%arg9 : memref<!tpu.dma_semaphore, #tpu.memory_space<semaphore_mem>>) src(%dma_wait3A_634 : memref<32x128xf32, #tpu.memory_space<vmem>>) dst(%dma_wait3A_631 : memref<32x128xf32, #tpu.memory_space<hbm>>)
    %dma_wait3A_635 = arith.constant 256 : i32
    %dma_wait3A_636 = arith.constant 0 : i32
    %dma_wait3A_637 = tpu.memref_slice %arg6[%dma_wait3A_635, %dma_wait3A_636] : memref<512x128xf32, #tpu.memory_space<vmem>> -> memref<32x128xf32, #tpu.memory_space<vmem>>
    %dma_wait3A_638 = arith.constant 0 : i32
    %dma_wait3A_639 = tpu.memref_slice %arg4[%add3A_383, %dma_wait3A_638] : memref<16384x128xf32, #tpu.memory_space<hbm>> -> memref<32x128xf32, #tpu.memory_space<hbm>>
    %dma_wait3A_640 = arith.constant 0 : i32
    %dma_wait3A_641 = tpu.memref_slice %arg4[%add3A_383, %dma_wait3A_640] : memref<16384x128xf32, #tpu.memory_space<hbm>> -> memref<32x128xf32, #tpu.memory_space<hbm>>
    %dma_wait3A_642 = arith.constant 256 : i32
    %dma_wait3A_643 = arith.constant 0 : i32
    %dma_wait3A_644 = tpu.memref_slice %arg6[%dma_wait3A_642, %dma_wait3A_643] : memref<512x128xf32, #tpu.memory_space<vmem>> -> memref<32x128xf32, #tpu.memory_space<vmem>>
    tpu.wait_dma2 semaphore(%arg9 : memref<!tpu.dma_semaphore, #tpu.memory_space<semaphore_mem>>) src(%dma_wait3A_644 : memref<32x128xf32, #tpu.memory_space<vmem>>) dst(%dma_wait3A_641 : memref<32x128xf32, #tpu.memory_space<hbm>>)
    %dma_wait3A_645 = arith.constant 288 : i32
    %dma_wait3A_646 = arith.constant 0 : i32
    %dma_wait3A_647 = tpu.memref_slice %arg6[%dma_wait3A_645, %dma_wait3A_646] : memref<512x128xf32, #tpu.memory_space<vmem>> -> memref<32x128xf32, #tpu.memory_space<vmem>>
    %dma_wait3A_648 = arith.constant 0 : i32
    %dma_wait3A_649 = tpu.memref_slice %arg4[%add3A_406, %dma_wait3A_648] : memref<16384x128xf32, #tpu.memory_space<hbm>> -> memref<32x128xf32, #tpu.memory_space<hbm>>
    %dma_wait3A_650 = arith.constant 0 : i32
    %dma_wait3A_651 = tpu.memref_slice %arg4[%add3A_406, %dma_wait3A_650] : memref<16384x128xf32, #tpu.memory_space<hbm>> -> memref<32x128xf32, #tpu.memory_space<hbm>>
    %dma_wait3A_652 = arith.constant 288 : i32
    %dma_wait3A_653 = arith.constant 0 : i32
    %dma_wait3A_654 = tpu.memref_slice %arg6[%dma_wait3A_652, %dma_wait3A_653] : memref<512x128xf32, #tpu.memory_space<vmem>> -> memref<32x128xf32, #tpu.memory_space<vmem>>
    tpu.wait_dma2 semaphore(%arg9 : memref<!tpu.dma_semaphore, #tpu.memory_space<semaphore_mem>>) src(%dma_wait3A_654 : memref<32x128xf32, #tpu.memory_space<vmem>>) dst(%dma_wait3A_651 : memref<32x128xf32, #tpu.memory_space<hbm>>)
    %dma_wait3A_655 = arith.constant 320 : i32
    %dma_wait3A_656 = arith.constant 0 : i32
    %dma_wait3A_657 = tpu.memref_slice %arg6[%dma_wait3A_655, %dma_wait3A_656] : memref<512x128xf32, #tpu.memory_space<vmem>> -> memref<32x128xf32, #tpu.memory_space<vmem>>
    %dma_wait3A_658 = arith.constant 0 : i32
    %dma_wait3A_659 = tpu.memref_slice %arg4[%add3A_429, %dma_wait3A_658] : memref<16384x128xf32, #tpu.memory_space<hbm>> -> memref<32x128xf32, #tpu.memory_space<hbm>>
    %dma_wait3A_660 = arith.constant 0 : i32
    %dma_wait3A_661 = tpu.memref_slice %arg4[%add3A_429, %dma_wait3A_660] : memref<16384x128xf32, #tpu.memory_space<hbm>> -> memref<32x128xf32, #tpu.memory_space<hbm>>
    %dma_wait3A_662 = arith.constant 320 : i32
    %dma_wait3A_663 = arith.constant 0 : i32
    %dma_wait3A_664 = tpu.memref_slice %arg6[%dma_wait3A_662, %dma_wait3A_663] : memref<512x128xf32, #tpu.memory_space<vmem>> -> memref<32x128xf32, #tpu.memory_space<vmem>>
    tpu.wait_dma2 semaphore(%arg9 : memref<!tpu.dma_semaphore, #tpu.memory_space<semaphore_mem>>) src(%dma_wait3A_664 : memref<32x128xf32, #tpu.memory_space<vmem>>) dst(%dma_wait3A_661 : memref<32x128xf32, #tpu.memory_space<hbm>>)
    %dma_wait3A_665 = arith.constant 352 : i32
    %dma_wait3A_666 = arith.constant 0 : i32
    %dma_wait3A_667 = tpu.memref_slice %arg6[%dma_wait3A_665, %dma_wait3A_666] : memref<512x128xf32, #tpu.memory_space<vmem>> -> memref<32x128xf32, #tpu.memory_space<vmem>>
    %dma_wait3A_668 = arith.constant 0 : i32
    %dma_wait3A_669 = tpu.memref_slice %arg4[%add3A_452, %dma_wait3A_668] : memref<16384x128xf32, #tpu.memory_space<hbm>> -> memref<32x128xf32, #tpu.memory_space<hbm>>
    %dma_wait3A_670 = arith.constant 0 : i32
    %dma_wait3A_671 = tpu.memref_slice %arg4[%add3A_452, %dma_wait3A_670] : memref<16384x128xf32, #tpu.memory_space<hbm>> -> memref<32x128xf32, #tpu.memory_space<hbm>>
    %dma_wait3A_672 = arith.constant 352 : i32
    %dma_wait3A_673 = arith.constant 0 : i32
    %dma_wait3A_674 = tpu.memref_slice %arg6[%dma_wait3A_672, %dma_wait3A_673] : memref<512x128xf32, #tpu.memory_space<vmem>> -> memref<32x128xf32, #tpu.memory_space<vmem>>
    tpu.wait_dma2 semaphore(%arg9 : memref<!tpu.dma_semaphore, #tpu.memory_space<semaphore_mem>>) src(%dma_wait3A_674 : memref<32x128xf32, #tpu.memory_space<vmem>>) dst(%dma_wait3A_671 : memref<32x128xf32, #tpu.memory_space<hbm>>)
    %dma_wait3A_675 = arith.constant 384 : i32
    %dma_wait3A_676 = arith.constant 0 : i32
    %dma_wait3A_677 = tpu.memref_slice %arg6[%dma_wait3A_675, %dma_wait3A_676] : memref<512x128xf32, #tpu.memory_space<vmem>> -> memref<32x128xf32, #tpu.memory_space<vmem>>
    %dma_wait3A_678 = arith.constant 0 : i32
    %dma_wait3A_679 = tpu.memref_slice %arg4[%add3A_475, %dma_wait3A_678] : memref<16384x128xf32, #tpu.memory_space<hbm>> -> memref<32x128xf32, #tpu.memory_space<hbm>>
    %dma_wait3A_680 = arith.constant 0 : i32
    %dma_wait3A_681 = tpu.memref_slice %arg4[%add3A_475, %dma_wait3A_680] : memref<16384x128xf32, #tpu.memory_space<hbm>> -> memref<32x128xf32, #tpu.memory_space<hbm>>
    %dma_wait3A_682 = arith.constant 384 : i32
    %dma_wait3A_683 = arith.constant 0 : i32
    %dma_wait3A_684 = tpu.memref_slice %arg6[%dma_wait3A_682, %dma_wait3A_683] : memref<512x128xf32, #tpu.memory_space<vmem>> -> memref<32x128xf32, #tpu.memory_space<vmem>>
    tpu.wait_dma2 semaphore(%arg9 : memref<!tpu.dma_semaphore, #tpu.memory_space<semaphore_mem>>) src(%dma_wait3A_684 : memref<32x128xf32, #tpu.memory_space<vmem>>) dst(%dma_wait3A_681 : memref<32x128xf32, #tpu.memory_space<hbm>>)
    %dma_wait3A_685 = arith.constant 416 : i32
    %dma_wait3A_686 = arith.constant 0 : i32
    %dma_wait3A_687 = tpu.memref_slice %arg6[%dma_wait3A_685, %dma_wait3A_686] : memref<512x128xf32, #tpu.memory_space<vmem>> -> memref<32x128xf32, #tpu.memory_space<vmem>>
    %dma_wait3A_688 = arith.constant 0 : i32
    %dma_wait3A_689 = tpu.memref_slice %arg4[%add3A_498, %dma_wait3A_688] : memref<16384x128xf32, #tpu.memory_space<hbm>> -> memref<32x128xf32, #tpu.memory_space<hbm>>
    %dma_wait3A_690 = arith.constant 0 : i32
    %dma_wait3A_691 = tpu.memref_slice %arg4[%add3A_498, %dma_wait3A_690] : memref<16384x128xf32, #tpu.memory_space<hbm>> -> memref<32x128xf32, #tpu.memory_space<hbm>>
    %dma_wait3A_692 = arith.constant 416 : i32
    %dma_wait3A_693 = arith.constant 0 : i32
    %dma_wait3A_694 = tpu.memref_slice %arg6[%dma_wait3A_692, %dma_wait3A_693] : memref<512x128xf32, #tpu.memory_space<vmem>> -> memref<32x128xf32, #tpu.memory_space<vmem>>
    tpu.wait_dma2 semaphore(%arg9 : memref<!tpu.dma_semaphore, #tpu.memory_space<semaphore_mem>>) src(%dma_wait3A_694 : memref<32x128xf32, #tpu.memory_space<vmem>>) dst(%dma_wait3A_691 : memref<32x128xf32, #tpu.memory_space<hbm>>)
    %dma_wait3A_695 = arith.constant 448 : i32
    %dma_wait3A_696 = arith.constant 0 : i32
    %dma_wait3A_697 = tpu.memref_slice %arg6[%dma_wait3A_695, %dma_wait3A_696] : memref<512x128xf32, #tpu.memory_space<vmem>> -> memref<32x128xf32, #tpu.memory_space<vmem>>
    %dma_wait3A_698 = arith.constant 0 : i32
    %dma_wait3A_699 = tpu.memref_slice %arg4[%add3A_521, %dma_wait3A_698] : memref<16384x128xf32, #tpu.memory_space<hbm>> -> memref<32x128xf32, #tpu.memory_space<hbm>>
    %dma_wait3A_700 = arith.constant 0 : i32
    %dma_wait3A_701 = tpu.memref_slice %arg4[%add3A_521, %dma_wait3A_700] : memref<16384x128xf32, #tpu.memory_space<hbm>> -> memref<32x128xf32, #tpu.memory_space<hbm>>
    %dma_wait3A_702 = arith.constant 448 : i32
    %dma_wait3A_703 = arith.constant 0 : i32
    %dma_wait3A_704 = tpu.memref_slice %arg6[%dma_wait3A_702, %dma_wait3A_703] : memref<512x128xf32, #tpu.memory_space<vmem>> -> memref<32x128xf32, #tpu.memory_space<vmem>>
    tpu.wait_dma2 semaphore(%arg9 : memref<!tpu.dma_semaphore, #tpu.memory_space<semaphore_mem>>) src(%dma_wait3A_704 : memref<32x128xf32, #tpu.memory_space<vmem>>) dst(%dma_wait3A_701 : memref<32x128xf32, #tpu.memory_space<hbm>>)
    %dma_wait3A_705 = arith.constant 480 : i32
    %dma_wait3A_706 = arith.constant 0 : i32
    %dma_wait3A_707 = tpu.memref_slice %arg6[%dma_wait3A_705, %dma_wait3A_706] : memref<512x128xf32, #tpu.memory_space<vmem>> -> memref<32x128xf32, #tpu.memory_space<vmem>>
    %dma_wait3A_708 = arith.constant 0 : i32
    %dma_wait3A_709 = tpu.memref_slice %arg4[%add3A_544, %dma_wait3A_708] : memref<16384x128xf32, #tpu.memory_space<hbm>> -> memref<32x128xf32, #tpu.memory_space<hbm>>
    %dma_wait3A_710 = arith.constant 0 : i32
    %dma_wait3A_711 = tpu.memref_slice %arg4[%add3A_544, %dma_wait3A_710] : memref<16384x128xf32, #tpu.memory_space<hbm>> -> memref<32x128xf32, #tpu.memory_space<hbm>>
    %dma_wait3A_712 = arith.constant 480 : i32
    %dma_wait3A_713 = arith.constant 0 : i32
    %dma_wait3A_714 = tpu.memref_slice %arg6[%dma_wait3A_712, %dma_wait3A_713] : memref<512x128xf32, #tpu.memory_space<vmem>> -> memref<32x128xf32, #tpu.memory_space<vmem>>
    tpu.wait_dma2 semaphore(%arg9 : memref<!tpu.dma_semaphore, #tpu.memory_space<semaphore_mem>>) src(%dma_wait3A_714 : memref<32x128xf32, #tpu.memory_space<vmem>>) dst(%dma_wait3A_711 : memref<32x128xf32, #tpu.memory_space<hbm>>)
    return
  }
}

</mosaic_0001>

<sc_bundles>
// kernel: kernel.3.cloned.1.call-start
scs
__scs_entry_jumppad:
0x0: {  	(pc) =	sbr.rel $0x88, $3  }
0x1: {  	(tag) =	ssettag $0x0;
	lr =	simm.s32 $0x1  }
0x2: {  	[smem:$0x3F9F] =	sst lr;
	_ =	strace $0xD0000000  }
0x3: {  	_ = 	snop  }
0x4: {  	_ = 	snop  }
0x5: {  	_ = 	snop  }
0x6: {  	_ = 	snop  }
0x7: {  	_ = 	snop  }
__scs_overlays_trampoline_lowered:
0x8: {  	[smem:$0x3FAE] =	sst s0  }
0x9: {  	[smem:$0x3FAF] =	sst s1  }
0xa: {  	[smem:$0x3FB0] =	sst s2  }
0xb: {  	[smem:$0x3FB1] =	sst s3  }
0xc: {  	[smem:$0x3FB2] =	sst s4  }
0xd: {  	[smem:$0x3FB3] =	sst s5  }
0xe: {  	[smem:$0x3FB4] =	sst s6  }
0xf: {  	[smem:$0x3FB5] =	sst s7  }
0x10: {  	[smem:$0x3FB6] =	sst s8  }
0x11: {  	[smem:$0x3FB7] =	sst s9;
	s0 =	simm.s32 @!p0 $0x0  }
0x12: {  	s1 =	sld [smem:$0x3F9D];
	s0 =	simm.s32 @p0 $0x1  }
0x13: {  	[smem:$0x3FB8] =	sst s0;
	s0 =	simm.s32 @!p1 $0x0  }
0x14: {  	s2 =	sld [smem:$0x3F9C];
	s0 =	simm.s32 @p1 $0x1  }
0x15: {  	[smem:$0x3FB9] =	sst s0;
	s0 =	simm.s32 @!p2 $0x0  }
0x16: {  	s3 =	sld [smem:$0x3FDB];
	s0 =	simm.s32 @p2 $0x1  }
0x17: {  	s4 =	simm.s32 $0x1BF5;
	[smem:$0x3FBB] =	sst s0  }
0x18: {  	s0 =	sld [smem:$0x3F9E];
	_ =	swait.ge [sflag:s4], $0x0  }
0x19: {  	s7 =	sld [smem:$0x3F9F]  }
0x1a: {  	s8 =	sadd.s32 $0xFFFFE003, lr  }
0x1b: {  	s9 =	sadd.s32 $0xFFFFFEF7, lr;
	s5 =	simm.s32 $0xFFFFFFFF;
	p2 =	slt.u32 s8, $0xFFFFF086  }
0x1c: {  	p1 =	slt.u32 s9, $0xF7A;
	s5 =	simm.s32 @!p2 $0x0  }
0x1d: {  	s5 =	simm.s32 @p1 $0x1;
	p0 =	seq.s32 s7, s2  }
0x1e: {  	s7 =	smul.u32 @!p0 $0xF7A, s2;
	p2 =	seq.s32 @!p0 s5, $0x0  }
0x1f: {  	s9 =	smul.u32 $0xF7A, s1;
	s8 =	simm.s32 @!p0 $0x1BF5;
	p2 =	por !p2, p0  }
0x20: {  	[sflag:s8] =	ssyncset.s32 @!p0 $0xFFFFF086;
	s6 =	sadd.s32 @!p0 s3, s7;
	s7 =	simm.s32 @!p0 $0x108  }
0x21: {  	s3 =	sadd.s32 s3, s9;
	s6 =	sadd.s32 @!p0 $0x88, s6;
	s7 =	simm.s32 @p2 $0x1082  }
0x22: {  	[simem:s7], [sflag:s8] =	dma.local @!p0 [hbm:s6], $0xF7A  }
0x23: {  	s9 =	sor.u32 $0xD0000000, s2;
	s6 =	simm.s32 $0x108;
	_ =	swait.ge @!p0 [sflag:s8], $0x0  }
0x24: {  	s3 =	sadd.s32 $0x88, s3;
	s6 =	simm.s32 @!p1 $0x1082;
	[sflag:s4] =	ssyncset.s32 $0xFFFFF086  }
0x25: {  	[simem:s6], [sflag:s4] =	dma.local [hbm:s3], $0xF7A  }
0x26: {  	[smem:$0x3F9F] =	sst s1;
	(tag) =	ssettag s2;
	_ =	strace s9  }
0x27: {  	s1 =	sld [smem:$0x3FAF]  }
0x28: {  	s2 =	sld [smem:$0x3FB0]  }
0x29: {  	s4 =	sld [smem:$0x3FB2]  }
0x2a: {  	p0 =	seq.s32 s5, $0x0;
	s5 =	sld [smem:$0x3FB3]  }
0x2b: {  	s6 =	sld [smem:$0x3FB4]  }
0x2c: {  	s7 =	sld [smem:$0x3FB5]  }
0x2d: {  	s3 =	simm.s32 $0x108;
	s8 =	sld [smem:$0x3FB6]  }
0x2e: {  	s3 =	simm.s32 @!p0 $0x1082;
	s9 =	sld [smem:$0x3FB7]  }
0x2f: {  	lr =	sadd.s32 s0, s3;
	s0 =	sld [smem:$0x3FAE]  }
0x30: {  	s3 =	sld [smem:$0x3FB1]  }
0x31: {  	[smem:$0x3FBA] =	sst s10  }
0x32: {  	s10 =	sld [smem:$0x3FB8];
	_ =	sdelay $0x3  }
0x33: {  	p0 =	seq.s32 s10, $0x1;
	s10 =	sld [smem:$0x3FBA];
	_ =	sdelay $0x3  }
0x34: {  	[smem:$0x3FBA] =	sst s10  }
0x35: {  	s10 =	sld [smem:$0x3FB9];
	_ =	sdelay $0x3  }
0x36: {  	p1 =	seq.s32 s10, $0x1;
	s10 =	sld [smem:$0x3FBA];
	_ =	sdelay $0x3  }
0x37: {  	[smem:$0x3FBA] =	sst s10  }
0x38: {  	s10 =	sld [smem:$0x3FBB]  }
0x39: {  	_ = 	snop;
	(pc) =	sbr.ind lr, $3  }
0x3a: {  	_ = 	snop  }
0x3b: {  	_ = 	snop  }
0x3c: {  	p2 =	seq.s32 s10, $0x1;
	s10 =	sld [smem:$0x3FBA]  }
0x3d: {  	_ =	shalt  }
0x3e: {  	_ =	shalt  }
0x3f: {  	_ =	shalt  }
0x40: {  	_ =	shalt  }
0x41: {  	_ =	shalt  }
0x42: {  	_ =	shalt  }
0x43: {  	_ =	shalt  }
0x44: {  	_ =	shalt  }
0x45: {  	_ =	shalt  }
0x46: {  	_ =	shalt  }
0x47: {  	_ =	shalt  }
0x48: {  	_ =	shalt  }
0x49: {  	_ =	shalt  }
0x4a: {  	_ =	shalt  }
0x4b: {  	_ =	shalt  }
0x4c: {  	_ =	shalt  }
0x4d: {  	_ =	shalt  }
0x4e: {  	_ =	shalt  }
0x4f: {  	_ =	shalt  }
0x50: {  	_ =	shalt  }
0x51: {  	_ =	shalt  }
0x52: {  	_ =	shalt  }
0x53: {  	_ =	shalt  }
0x54: {  	_ =	shalt  }
0x55: {  	_ =	shalt  }
0x56: {  	_ =	shalt  }
0x57: {  	_ =	shalt  }
0x58: {  	_ =	shalt  }
0x59: {  	_ =	shalt  }
0x5a: {  	_ =	shalt  }
0x5b: {  	_ =	shalt  }
0x5c: {  	_ =	shalt  }
0x5d: {  	_ =	shalt  }
0x5e: {  	_ =	shalt  }
0x5f: {  	_ =	shalt  }
0x60: {  	_ =	shalt  }
0x61: {  	_ =	shalt  }
0x62: {  	_ =	shalt  }
0x63: {  	_ =	shalt  }
0x64: {  	_ =	shalt  }
0x65: {  	_ =	shalt  }
0x66: {  	_ =	shalt  }
0x67: {  	_ =	shalt  }
0x68: {  	_ =	shalt  }
0x69: {  	_ =	shalt  }
0x6a: {  	_ =	shalt  }
0x6b: {  	_ =	shalt  }
0x6c: {  	_ =	shalt  }
0x6d: {  	_ =	shalt  }
0x6e: {  	_ =	shalt  }
0x6f: {  	_ =	shalt  }
0x70: {  	_ =	shalt  }
0x71: {  	_ =	shalt  }
0x72: {  	_ =	shalt  }
0x73: {  	_ =	shalt  }
0x74: {  	_ =	shalt  }
0x75: {  	_ =	shalt  }
0x76: {  	_ =	shalt  }
0x77: {  	_ =	shalt  }
0x78: {  	_ =	shalt  }
0x79: {  	_ =	shalt  }
0x7a: {  	_ =	shalt  }
0x7b: {  	_ =	shalt  }
0x7c: {  	_ =	shalt  }
0x7d: {  	_ =	shalt  }
0x7e: {  	_ =	shalt  }
0x7f: {  	_ =	shalt  }
0x80: {  	_ =	shalt  }
0x81: {  	_ =	shalt  }
0x82: {  	_ =	shalt  }
0x83: {  	_ =	shalt  }
0x84: {  	_ =	shalt  }
0x85: {  	_ =	shalt  }
0x86: {  	_ =	shalt  }
0x87: {  	_ =	shalt  }
.Lfunc_end0:
.L_simem_size_0:
called_computation_lowered:
.L_overlay_start_0:
0x88: {  	s2 =	sld [smem:$0x3FD9]  }
0x89: {  	s3 =	sld [smem:$0x3FFE];
	_ =	sdelay $0x1  }
0x8a: {  	s1 =	srdreg.scid  }
0x8b: {  	s0 =	sand.u32 $0x1, s1  }
0x8c: {  	s18 =	sshll.u32 s0, $0xA;
	s2 =	sadd.s32 s3, s2  }
0x8d: {  	s2 =	sadd.s32 s2, s18  }
0x8e: {  	[smem:$0x3FC6] =	sst s2  }
0x8f: {  	_ = 	snop  }
0x90: {  	s2 =	sld [smem:$0x3FC9]  }
0x91: {  	s19 =	sld [smem:$0x3FC8]  }
0x92: {  	s4 =	sld [smem:$0x3FD0];
	(tm) =	ssettm $0x1  }
0x93: {  	s5 =	sld [smem:$0x3FFB];
	_ =	sdelay $0x3  }
0x94: {  	_ =	strace s5  }
0x95: {  	s5 =	sld [smem:$0x3FFC];
	_ =	sdelay $0x3  }
0x96: {  	_ =	strace s5  }
0x97: {  	s5 =	sld [smem:$0x3FFD];
	_ =	sdelay $0x3  }
0x98: {  	_ =	strace s5  }
0x99: {  	_ =	strace $0x8FFFFFFF  }
0x9a: {  	s20 =	sld [smem:$0x3FDB];
	_ =	sdelay $0x1  }
0x9b: {  	s6 =	simm.s32 $_scs_section_size  }
0x9c: {  	s7 =	simm.s32 $_size__tile_overlayer_lowered;
	s8 =	simm.s32 $_tile_overlayer_lowered  }
0x9d: {  	s23 =	simm.s32 $0x1BFF;
	s22 =	sshll.u32 s8, $0x1;
	s5 =	sadd.s32 s6, s20  }
0x9e: {  	s9 =	simm.s32 $0x0;
	s21 =	sshll.u32 s7, $0x1;
	s7 =	sadd.s32 s22, s5  }
0x9f: {  	[timem:s9], [sflag:s23] =	dma.local [hbm:s7], s21  }
0xa0: {  	_ =	swait.ge [sflag:s23], s21  }
0xa1: {  	s6 =	ssub.s32 $0x0, s21;
	[sflag:s23] =	ssyncset.done $0x0  }
0xa2: {  	[sflag:s23] =	ssyncadd.s32 s6;
	_ =	sdelay $0x1  }
0xa3: {  	s24 =	simm.s32 $0x1B8B  }
0xa4: {  	_ =	swait.ge [sflag:s24], $0x1  }
0xa5: {  	[sflag:s24] =	ssyncset.done $0x0  }
0xa6: {  	s25 =	simm.s32 $0x1B8E;
	[sflag:s24] =	ssyncadd.s32 $0xFFFFFFFF  }
0xa7: {  	s26 =	simm.s32 $execute0_lowered;
	[smem:$0x3FD2] =	sst s25  }
0xa8: {  	s6 =	sshll.u32 s26, $0x1;
	_ =	strace $0x80000046;
	[dreg:$0x1] =	wrdreg $0xFFFFFFFF  }
0xa9: {  	s28 =	simm.s32 $_size_execute0_lowered;
	s5 =	sadd.s32 s5, s6;
	[dreg:$0x0] =	wrdreg $0x0  }
0xaa: {  	s6 =	sshll.u32 s28, $0x1;
	[dreg:$0x2] =	wrdreg s5  }
0xab: {  	[dreg:$0x3] =	wrdreg s6  }
0xac: {  	[dreg:$0x4] =	wrdreg $0xC0  }
0xad: {  	_ =	task [dreg:s9], $0x5FFFF  }
0xae: {  	[dreg:$0x1] =	wrdreg $0xFFFFFFFF  }
0xaf: {  	[dreg:$0x0] =	wrdreg $0x60  }
0xb0: {  	[dreg:$0x2] =	wrdreg s2  }
0xb1: {  	[dreg:$0x3] =	wrdreg s19  }
0xb2: {  	[dreg:$0x4] =	wrdreg s4  }
0xb3: {  	[dreg:$0x5] =	wrdreg $0x102000  }
0xb4: {  	[dreg:$0x6] =	wrdreg $0x9  }
0xb5: {  	_ =	task.clear_ibuf [dreg:s9], $0x7FFFF;
	_ =	strace $0x90000046  }
0xb6: {  	s29 =	simm.s32 $0x9;
	_ =	strace $0x80000048  }
0xb7: {  	_ =	swait.ge [sflag:s29], $0x1  }
0xb8: {  	[sflag:s29] =	ssyncadd.s32 $0xFFFFFFFF  }
0xb9: {  	_ =	strace $0x90000048  }
0xba: {  	_ =	sfence  }
0xbb: {  	s30 =	sld [smem:$0x0];
	_ =	sdelay $0x2  }
0xbc: {  	s31 =	sshll.u32 s1, $0xD;
	s1 =	sshrl.u32 s1, $0x2  }
0xbd: {  	s3 =	sand.u32 $0x4000, s31;
	s1 =	sadd.s32 s1, s30  }
0xbe: {  	s0 =	sor.u32 s3, s0;
	s1 =	sshll.u32 s1, $0x11  }
0xbf: {  	s0 =	sor.u32 s1, s0  }
0xc0: {  	s0 =	sadd.s32 $0x8F2B, s0  }
0xc1: {  	[sflag:s0] =	ssyncadd.remote.s32 $0x1  }
0xc2: {  	_ =	sfence.sel $0xFFFF  }
0xc3: {  	[dreg:$0x0] =	wrdreg $0xFFFFFFFF;
	(pc) =	sbr.abs _section_cstart, $3  }
0xc4: {  	[dreg:$0x1] =	wrdreg $0xFFFFFFFF  }
0xc5: {  	_ =	task.clear_ibuf [dreg:s9], $0x2FFFF;
	_ =	strace $0x9FFFFFFF  }
0xc6: {  	(tm) =	ssettm $0x7FFFFFFF  }
0xc7: {  	_ =	shalt  }
tec
execute0_lowered:
.L_overlay_start_1:
0x0: {  	(tag) =	ssettag $0x1  }
0x1: {  	s0 =	rddreg [dreg:$0x0]  }
0x2: {  	s1 =	rddreg [dreg:$0x1]  }
0x3: {  	s2 =	srdreg.scid;
	s4 =	rddreg [dreg:$0x2]  }
0x4: {  	s3 =	simm.s32 $0x0;
	s18 =	sand.u32 $0x1, s2;
	s2 =	rddreg [dreg:$0x3]  }
0x5: {  	s8 =	stileid.u32;
	s28 =	simm.s32 $0x40;
	[smem:$0x7FF] =	sst s3  }
0x6: {  	s29 =	simm.s32 $0x60;
	_ =	strace $0x80000047;
	[dreg:$0x1a] =	wrdreg s28  }
0x7: {  	s30 =	simm.s32 $0x80;
	s31 =	simm.s32 $0xA0;
	[dreg:$0x1b] =	wrdreg s29  }
0x8: {  	s5 =	sshll.u32 s8, $0xA;
	s6 =	sshll.u32 s18, $0x9;
	[dreg:$0x1c] =	wrdreg s30  }
0x9: {  	[dreg:$0x1d] =	wrdreg s31;
	s6 =	sor.u32 s6, s5;
	s5 =	sadd.s32 s1, s5  }
0xa: {  	s7 =	sshrl.u32 s6, $0x3;
	[dreg:$0x6] =	wrdreg s5;
	s5 =	simm.s32 $0x100  }
0xb: {  	s0 =	sadd.s32 s0, s7;
	[smem:$0x7F5] =	sst s5  }
0xc: {  	s6 =	sshll.u32 s6, $0x4;
	s7 =	sadd.s32 $0x3C00, s1;
	[dreg:$0x5] =	wrdreg s0  }
0xd: {  	s10 =	sadd.s32 s4, s6;
	s6 =	simm.s32 $0x120;
	[dreg:$0x7] =	wrdreg s7  }
0xe: {  	s9 =	sadd.s32 $0x200, s10;
	[smem:$0x7F6] =	sst s6  }
0xf: {  	s11 =	sadd.s32 $0x400, s10;
	[dreg:$0x8] =	wrdreg s9  }
0x10: {  	s12 =	sadd.s32 $0x600, s10;
	[dreg:$0x9] =	wrdreg s11  }
0x11: {  	s13 =	sadd.s32 $0x800, s10;
	[dreg:$0xa] =	wrdreg s12  }
0x12: {  	s14 =	sadd.s32 $0xA00, s10;
	[dreg:$0xb] =	wrdreg s13  }
0x13: {  	s15 =	sadd.s32 $0xC00, s10;
	[dreg:$0xc] =	wrdreg s14  }
0x14: {  	s16 =	sadd.s32 $0xE00, s10;
	[dreg:$0xd] =	wrdreg s15  }
0x15: {  	s17 =	sadd.s32 $0x1000, s10;
	[dreg:$0xe] =	wrdreg s16  }
0x16: {  	s19 =	sadd.s32 $0x1200, s10;
	[dreg:$0xf] =	wrdreg s17  }
0x17: {  	s20 =	sadd.s32 $0x1400, s10;
	[dreg:$0x10] =	wrdreg s19  }
0x18: {  	s21 =	sadd.s32 $0x1600, s10;
	[dreg:$0x11] =	wrdreg s20  }
0x19: {  	s22 =	sadd.s32 $0x1800, s10;
	[dreg:$0x12] =	wrdreg s21  }
0x1a: {  	s24 =	sadd.s32 $0x1A00, s10;
	[dreg:$0x13] =	wrdreg s22  }
0x1b: {  	p0 =	seq.s32 s8, $0xF;
	s25 =	sadd.s32 $0x1C00, s10;
	[dreg:$0x14] =	wrdreg s24  }
0x1c: {  	s4 =	sadd.s32 $0x1E000, s2;
	s26 =	sadd.s32 $0x1E00, s10;
	[dreg:$0x15] =	wrdreg s25  }
0x1d: {  	s0 =	sshrl.u32 @p0 s4, $0x3;
	[dreg:$0x16] =	wrdreg s26  }
0x1e: {  	s23 =	sshll.u32 s8, $0xD;
	s7 =	simm.s32 $0x140;
	[dreg:$0x19] =	wrdreg s0  }
0x1f: {  	s4 =	sshll.u32 @!p0 s8, $0x6;
	s8 =	simm.s32 $0x160;
	[smem:$0x7F7] =	sst s7  }
0x20: {  	[smem:$0x7F8] =	sst s8  }
0x21: {  	s0 =	sor.u32 @!p0 $0x1C13, s4;
	s13 =	rddreg [dreg:$0x5]  }
0x22: {  	s4 =	simm.s32 $0xE0;
	[dreg:$0x17] =	wrdreg s0  }
0x23: {  	s9 =	simm.s32 $0x180;
	[dreg:$0x1f] =	wrdreg s4  }
0x24: {  	s11 =	simm.s32 $0x1A0;
	[smem:$0x7F9] =	sst s9  }
0x25: {  	s12 =	simm.s32 $0x1C0;
	[smem:$0x7FA] =	sst s11  }
0x26: {  	[smem:$0x7FB] =	sst s12  }
0x27: {  	s1 =	sadd.s32 s23, s2;
	s14 =	simm.s32 $0x1E0;
	s5 =	rddreg [dreg:$0x19]  }
0x28: {  	s0 =	sshrl.u32 @!p0 s1, $0x3;
	[smem:$0x7FC] =	sst s14  }
0x29: {  	[tilespmem:s3], [sflag:$0x12] =	stream.linear.gather [hbm4b:s13+s3], $0x200, $0x38;
	[tilespmem:$0x12148] =	vst v63  }
0x2a: {  	s1 =	simm.s32 $0xC0;
	[dreg:$0x18] =	wrdreg s0  }
0x2b: {  	[dreg:$0x1e] =	wrdreg s1  }
0x2c: {  	s6 =	simm.s32 @p0 $0x13;
	s4 =	simm.s32 @p0 $0x1FD3;
	s0 =	rddreg [dreg:$0x7]  }
0x2d: {  	[spmem:s5], [sflag:s4] =	dma.local @p0 [hbm:s0], $0x290  }
0x2e: {  	_ =	swait.ge @p0 [sflag:s6], $0x290  }
0x2f: {  	s0 =	rddreg [dreg:$0x18]  }
0x30: {  	s1 =	rddreg [dreg:$0x6];
	[sflag:s6] =	ssyncset.done @p0 $0x0  }
0x31: {  	s5 =	simm.s32 @!p0 $0x13;
	s4 =	rddreg [dreg:$0x17];
	[sflag:s6] =	ssyncadd.s32 @p0 $0xFFFFFD70  }
0x32: {  	[spmem:s0], [sflag:s4] =	dma.local @!p0 [hbm:s1], $0x400  }
0x33: {  	_ =	swait.ge @!p0 [sflag:s5], $0x400  }
0x34: {  	[sflag:s5] =	ssyncset.done @!p0 $0x0  }
0x35: {  	s15 =	simm.s32 $0x12;
	[sflag:s5] =	ssyncadd.s32 @!p0 $0xFFFFFC00  }
0x36: {  	_ =	swait.ge [sflag:s15], $0x200  }
0x37: {  	[sflag:s15] =	ssyncset.done $0x0  }
0x38: {  	[sflag:s15] =	ssyncadd.s32 $0xFFFFFE00  }
0x39: {  	s9 =	simm.s32 $0x20;
	s4 =	simm.s32 $0x200;
	[bflag:$0x0] =	sbarrier.arrive $0xFFFF  }
0x3a: {  	[tilespmem:s4], [sflag:$0x1] =	stream.indirect.gather [spmem:s2], $0x80, s3, s9, $0xb8;
	[tilespmem:$0x12148] =	vst v63  }
0x3b: {  	s5 =	simm.s32 $0x1200;
	s16 =	rddreg [dreg:$0x1a]  }
0x3c: {  	[tilespmem:s5], [sflag:$0x2] =	stream.indirect.gather [spmem:s2], $0x80, s9, s9, $0xb8;
	[tilespmem:$0x12148] =	vst v63  }
0x3d: {  	s11 =	simm.s32 $0x2200;
	s17 =	rddreg [dreg:$0x1b]  }
0x3e: {  	[tilespmem:s11], [sflag:$0x3] =	stream.indirect.gather [spmem:s2], $0x80, s16, s9, $0xb8;
	[tilespmem:$0x12148] =	vst v63  }
0x3f: {  	s12 =	simm.s32 $0x3200;
	s19 =	rddreg [dreg:$0x1c]  }
0x40: {  	[tilespmem:s12], [sflag:$0x4] =	stream.indirect.gather [spmem:s2], $0x80, s17, s9, $0xb8;
	[tilespmem:$0x12148] =	vst v63  }
0x41: {  	s13 =	simm.s32 $0x4200;
	s20 =	rddreg [dreg:$0x1d]  }
0x42: {  	[tilespmem:s13], [sflag:$0x5] =	stream.indirect.gather [spmem:s2], $0x80, s19, s9, $0xb8;
	[tilespmem:$0x12148] =	vst v63  }
0x43: {  	s6 =	simm.s32 $0x5200;
	s21 =	rddreg [dreg:$0x1e]  }
0x44: {  	[tilespmem:s6], [sflag:$0x6] =	stream.indirect.gather [spmem:s2], $0x80, s20, s9, $0xb8;
	[tilespmem:$0x12148] =	vst v63  }
0x45: {  	s7 =	simm.s32 $0x6200;
	s22 =	rddreg [dreg:$0x1f]  }
0x46: {  	[tilespmem:s7], [sflag:$0x7] =	stream.indirect.gather [spmem:s2], $0x80, s21, s9, $0xb8;
	[tilespmem:$0x12148] =	vst v63  }
0x47: {  	s8 =	simm.s32 $0x7200;
	s23 =	sld [smem:$0x7F5]  }
0x48: {  	[tilespmem:s8], [sflag:$0x8] =	stream.indirect.gather [spmem:s2], $0x80, s22, s9, $0xb8;
	[tilespmem:$0x12148] =	vst v63  }
0x49: {  	s14 =	simm.s32 $0x8200;
	s24 =	sld [smem:$0x7F6]  }
0x4a: {  	[tilespmem:s14], [sflag:$0x9] =	stream.indirect.gather [spmem:s2], $0x80, s23, s9, $0xb8;
	[tilespmem:$0x12148] =	vst v63  }
0x4b: {  	s15 =	simm.s32 $0x9200;
	s25 =	sld [smem:$0x7F7]  }
0x4c: {  	[tilespmem:s15], [sflag:$0xA] =	stream.indirect.gather [spmem:s2], $0x80, s24, s9, $0xb8;
	[tilespmem:$0x12148] =	vst v63  }
0x4d: {  	s26 =	sld [smem:$0x7F8];
	s16 =	simm.s32 $0xA200  }
0x4e: {  	[tilespmem:s16], [sflag:$0xB] =	stream.indirect.gather [spmem:s2], $0x80, s25, s9, $0xb8;
	[tilespmem:$0x12148] =	vst v63  }
0x4f: {  	s28 =	sld [smem:$0x7F9];
	s17 =	simm.s32 $0xB200  }
0x50: {  	[tilespmem:s17], [sflag:$0xC] =	stream.indirect.gather [spmem:s2], $0x80, s26, s9, $0xb8;
	[tilespmem:$0x12148] =	vst v63  }
0x51: {  	s29 =	sld [smem:$0x7FA];
	s19 =	simm.s32 $0xC200  }
0x52: {  	[tilespmem:s19], [sflag:$0xD] =	stream.indirect.gather [spmem:s2], $0x80, s28, s9, $0xb8;
	[tilespmem:$0x12148] =	vst v63  }
0x53: {  	s30 =	sld [smem:$0x7FB];
	s20 =	simm.s32 $0xD200  }
0x54: {  	[tilespmem:s20], [sflag:$0xE] =	stream.indirect.gather [spmem:s2], $0x80, s29, s9, $0xb8;
	[tilespmem:$0x12148] =	vst v63  }
0x55: {  	s31 =	sld [smem:$0x7FC];
	s21 =	simm.s32 $0xE200  }
0x56: {  	[tilespmem:s21], [sflag:$0xF] =	stream.indirect.gather [spmem:s2], $0x80, s30, s9, $0xb8;
	[tilespmem:$0x12148] =	vst v63  }
0x57: {  	s1 =	simm.s32 $0x1;
	s22 =	simm.s32 $0xF200  }
0x58: {  	[tilespmem:s22], [sflag:$0x10] =	stream.indirect.gather [spmem:s2], $0x80, s31, s9, $0xb8;
	[tilespmem:$0x12148] =	vst v63  }
0x59: {  	_ =	swait.ge [sflag:s1], $0x1000  }
0x5a: {  	[sflag:s1] =	ssyncset.done $0x0  }
0x5b: {  	s23 =	simm.s32 $0x2;
	[smem:$0x7FD] =	sst s10;
	[sflag:s1] =	ssyncadd.s32 $0xFFFFF000  }
0x5c: {  	[hbm4b:s10+s3] =	stream.linear.scatter [tilespmem:s4], [sflag:$0x11], $0x1000, $0x38;
	[tilespmem:$0x12148] =	vst v63  }
0x5d: {  	_ =	swait.ge [sflag:s23], $0x1000  }
0x5e: {  	[sflag:s23] =	ssyncset.done $0x0  }
0x5f: {  	s25 =	simm.s32 $0x3;
	s24 =	rddreg [dreg:$0x8];
	[sflag:s23] =	ssyncadd.s32 $0xFFFFF000  }
0x60: {  	[hbm4b:s24+s3] =	stream.linear.scatter [tilespmem:s5], [sflag:$0x11], $0x1000, $0x38;
	[tilespmem:$0x12148] =	vst v63  }
0x61: {  	_ =	swait.ge [sflag:s25], $0x1000  }
0x62: {  	[sflag:s25] =	ssyncset.done $0x0  }
0x63: {  	s28 =	simm.s32 $0x4;
	s26 =	rddreg [dreg:$0x9];
	[sflag:s25] =	ssyncadd.s32 $0xFFFFF000  }
0x64: {  	[hbm4b:s26+s3] =	stream.linear.scatter [tilespmem:s11], [sflag:$0x11], $0x1000, $0x38;
	[tilespmem:$0x12148] =	vst v63  }
0x65: {  	_ =	swait.ge [sflag:s28], $0x1000  }
0x66: {  	[sflag:s28] =	ssyncset.done $0x0  }
0x67: {  	s30 =	simm.s32 $0x5;
	s29 =	rddreg [dreg:$0xa];
	[sflag:s28] =	ssyncadd.s32 $0xFFFFF000  }
0x68: {  	[hbm4b:s29+s3] =	stream.linear.scatter [tilespmem:s12], [sflag:$0x11], $0x1000, $0x38;
	[tilespmem:$0x12148] =	vst v63  }
0x69: {  	_ =	swait.ge [sflag:s30], $0x1000  }
0x6a: {  	[sflag:s30] =	ssyncset.done $0x0  }
0x6b: {  	s4 =	simm.s32 $0x6;
	s31 =	rddreg [dreg:$0xb];
	[sflag:s30] =	ssyncadd.s32 $0xFFFFF000  }
0x6c: {  	[hbm4b:s31+s3] =	stream.linear.scatter [tilespmem:s13], [sflag:$0x11], $0x1000, $0x38;
	[tilespmem:$0x12148] =	vst v63  }
0x6d: {  	_ =	swait.ge [sflag:s4], $0x1000  }
0x6e: {  	[sflag:s4] =	ssyncset.done $0x0  }
0x6f: {  	s5 =	rddreg [dreg:$0xc];
	[sflag:s4] =	ssyncadd.s32 $0xFFFFF000  }
0x70: {  	[hbm4b:s5+s3] =	stream.linear.scatter [tilespmem:s6], [sflag:$0x11], $0x1000, $0x38;
	[tilespmem:$0x12148] =	vst v63  }
0x71: {  	s6 =	simm.s32 $0x7  }
0x72: {  	_ =	swait.ge [sflag:s6], $0x1000  }
0x73: {  	[sflag:s6] =	ssyncset.done $0x0  }
0x74: {  	s11 =	simm.s32 $0x8;
	s10 =	rddreg [dreg:$0xd];
	[sflag:s6] =	ssyncadd.s32 $0xFFFFF000  }
0x75: {  	[hbm4b:s10+s3] =	stream.linear.scatter [tilespmem:s7], [sflag:$0x11], $0x1000, $0x38;
	[tilespmem:$0x12148] =	vst v63  }
0x76: {  	_ =	swait.ge [sflag:s11], $0x1000  }
0x77: {  	[sflag:s11] =	ssyncset.done $0x0  }
0x78: {  	s4 =	simm.s32 $0x9;
	s12 =	rddreg [dreg:$0xe];
	[sflag:s11] =	ssyncadd.s32 $0xFFFFF000  }
0x79: {  	[hbm4b:s12+s3] =	stream.linear.scatter [tilespmem:s8], [sflag:$0x11], $0x1000, $0x38;
	[tilespmem:$0x12148] =	vst v63  }
0x7a: {  	_ =	swait.ge [sflag:s4], $0x1000  }
0x7b: {  	[sflag:s4] =	ssyncset.done $0x0  }
0x7c: {  	s10 =	simm.s32 $0xA;
	s13 =	rddreg [dreg:$0xf];
	[sflag:s4] =	ssyncadd.s32 $0xFFFFF000  }
0x7d: {  	[hbm4b:s13+s3] =	stream.linear.scatter [tilespmem:s14], [sflag:$0x11], $0x1000, $0x38;
	[tilespmem:$0x12148] =	vst v63  }
0x7e: {  	_ =	swait.ge [sflag:s10], $0x1000  }
0x7f: {  	[sflag:s10] =	ssyncset.done $0x0  }
0x80: {  	s11 =	simm.s32 $0xB;
	s23 =	rddreg [dreg:$0x10];
	[sflag:s10] =	ssyncadd.s32 $0xFFFFF000  }
0x81: {  	[hbm4b:s23+s3] =	stream.linear.scatter [tilespmem:s15], [sflag:$0x11], $0x1000, $0x38;
	[tilespmem:$0x12148] =	vst v63  }
0x82: {  	_ =	swait.ge [sflag:s11], $0x1000  }
0x83: {  	[sflag:s11] =	ssyncset.done $0x0  }
0x84: {  	s12 =	simm.s32 $0xC;
	s24 =	rddreg [dreg:$0x11];
	[sflag:s11] =	ssyncadd.s32 $0xFFFFF000  }
0x85: {  	[hbm4b:s24+s3] =	stream.linear.scatter [tilespmem:s16], [sflag:$0x11], $0x1000, $0x38;
	[tilespmem:$0x12148] =	vst v63  }
0x86: {  	_ =	swait.ge [sflag:s12], $0x1000  }
0x87: {  	[sflag:s12] =	ssyncset.done $0x0  }
0x88: {  	s13 =	simm.s32 $0xD;
	s25 =	rddreg [dreg:$0x12];
	[sflag:s12] =	ssyncadd.s32 $0xFFFFF000  }
0x89: {  	[hbm4b:s25+s3] =	stream.linear.scatter [tilespmem:s17], [sflag:$0x11], $0x1000, $0x38;
	[tilespmem:$0x12148] =	vst v63  }
0x8a: {  	_ =	swait.ge [sflag:s13], $0x1000  }
0x8b: {  	[sflag:s13] =	ssyncset.done $0x0  }
0x8c: {  	s14 =	simm.s32 $0xE;
	s26 =	rddreg [dreg:$0x13];
	[sflag:s13] =	ssyncadd.s32 $0xFFFFF000  }
0x8d: {  	[hbm4b:s26+s3] =	stream.linear.scatter [tilespmem:s19], [sflag:$0x11], $0x1000, $0x38;
	[tilespmem:$0x12148] =	vst v63  }
0x8e: {  	_ =	swait.ge [sflag:s14], $0x1000  }
0x8f: {  	[sflag:s14] =	ssyncset.done $0x0  }
0x90: {  	s15 =	simm.s32 $0xF;
	s28 =	rddreg [dreg:$0x14];
	[sflag:s14] =	ssyncadd.s32 $0xFFFFF000  }
0x91: {  	[hbm4b:s28+s3] =	stream.linear.scatter [tilespmem:s20], [sflag:$0x11], $0x1000, $0x38;
	[tilespmem:$0x12148] =	vst v63  }
0x92: {  	_ =	swait.ge [sflag:s15], $0x1000  }
0x93: {  	[sflag:s15] =	ssyncset.done $0x0  }
0x94: {  	s16 =	simm.s32 $0x10;
	s29 =	rddreg [dreg:$0x15];
	[sflag:s15] =	ssyncadd.s32 $0xFFFFF000  }
0x95: {  	[hbm4b:s29+s3] =	stream.linear.scatter [tilespmem:s21], [sflag:$0x11], $0x1000, $0x38;
	[tilespmem:$0x12148] =	vst v63  }
0x96: {  	_ =	swait.ge [sflag:s16], $0x1000  }
0x97: {  	[sflag:s16] =	ssyncset.done $0x0  }
0x98: {  	s17 =	simm.s32 $0x11;
	s30 =	rddreg [dreg:$0x16];
	[sflag:s16] =	ssyncadd.s32 $0xFFFFF000  }
0x99: {  	[hbm4b:s30+s3] =	stream.linear.scatter [tilespmem:s22], [sflag:$0x11], $0x1000, $0x38;
	[tilespmem:$0x12148] =	vst v63  }
0x9a: {  	_ =	swait.ge [sflag:s17], $0x1000  }
0x9b: {  	[sflag:s17] =	ssyncset.done $0x0  }
0x9c: {  	[sflag:s17] =	ssyncadd.s32 $0xFFFFF000  }
0x9d: {  	_ =	swait.ge [sflag:s17], $0x1000  }
0x9e: {  	[sflag:s17] =	ssyncset.done $0x0  }
0x9f: {  	[sflag:s17] =	ssyncadd.s32 $0xFFFFF000  }
0xa0: {  	_ =	swait.ge [sflag:s17], $0x1000  }
0xa1: {  	[sflag:s17] =	ssyncset.done $0x0  }
0xa2: {  	[sflag:s17] =	ssyncadd.s32 $0xFFFFF000  }
0xa3: {  	_ =	swait.ge [sflag:s17], $0x1000  }
0xa4: {  	[sflag:s17] =	ssyncset.done $0x0  }
0xa5: {  	[sflag:s17] =	ssyncadd.s32 $0xFFFFF000  }
0xa6: {  	_ =	swait.ge [sflag:s17], $0x1000  }
0xa7: {  	[sflag:s17] =	ssyncset.done $0x0  }
0xa8: {  	[sflag:s17] =	ssyncadd.s32 $0xFFFFF000  }
0xa9: {  	_ =	swait.ge [sflag:s17], $0x1000  }
0xaa: {  	[sflag:s17] =	ssyncset.done $0x0  }
0xab: {  	[sflag:s17] =	ssyncadd.s32 $0xFFFFF000  }
0xac: {  	_ =	swait.ge [sflag:s17], $0x1000  }
0xad: {  	[sflag:s17] =	ssyncset.done $0x0  }
0xae: {  	[sflag:s17] =	ssyncadd.s32 $0xFFFFF000  }
0xaf: {  	_ =	swait.ge [sflag:s17], $0x1000  }
0xb0: {  	[sflag:s17] =	ssyncset.done $0x0  }
0xb1: {  	[sflag:s17] =	ssyncadd.s32 $0xFFFFF000  }
0xb2: {  	_ =	swait.ge [sflag:s17], $0x1000  }
0xb3: {  	[sflag:s17] =	ssyncset.done $0x0  }
0xb4: {  	[sflag:s17] =	ssyncadd.s32 $0xFFFFF000  }
0xb5: {  	_ =	swait.ge [sflag:s17], $0x1000  }
0xb6: {  	[sflag:s17] =	ssyncset.done $0x0  }
0xb7: {  	[sflag:s17] =	ssyncadd.s32 $0xFFFFF000  }
0xb8: {  	_ =	swait.ge [sflag:s17], $0x1000  }
0xb9: {  	[sflag:s17] =	ssyncset.done $0x0  }
0xba: {  	[sflag:s17] =	ssyncadd.s32 $0xFFFFF000  }
0xbb: {  	s31 =	ssub.s32 $0x2, s18;
	_ =	swait.ge [sflag:s17], $0x1000  }
0xbc: {  	s18 =	sshrl.u32 s31, $0x1;
	[sflag:s17] =	ssyncset.done $0x0  }
0xbd: {  	s18 =	ssub.s32 s31, s18;
	[sflag:s17] =	ssyncadd.s32 $0xFFFFF000  }
0xbe: {  	s18 =	smax.u32 s18, $0x1;
	_ =	swait.ge [sflag:s17], $0x1000  }
0xbf: {  	s18 =	sadd.s32 $0xFFFFFFFF, s18;
	[sflag:s17] =	ssyncset.done $0x0  }
0xc0: {  	p1 =	sne.s32 s18, $0x0;
	[sflag:s17] =	ssyncadd.s32 $0xFFFFF000  }
.Ltmp0:
0xc1: {  	_ =	swait.ge [sflag:s17], $0x1000;
	(pc) =	sbr.rel @!p1 .LBB2_3-.Ltmp0, $4  }
0xc2: {  	[sflag:s17] =	ssyncset.done $0x0  }
0xc3: {  	[sflag:s17] =	ssyncadd.s32 $0xFFFFF000  }
0xc4: {  	_ =	swait.ge [sflag:s17], $0x1000  }
0xc5: {  	[sflag:s17] =	ssyncset.done $0x0  }
0xc6: {  	s23 =	simm.s32 $0x1200;
	s24 =	simm.s32 $0x2200  }
0xc7: {  	s25 =	simm.s32 $0x3200;
	s22 =	simm.s32 $0x4200;
	s7 =	simm.s32 $0x6200  }
0xc8: {  	s8 =	simm.s32 $0x7200;
	s26 =	simm.s32 $0x8200;
	s28 =	simm.s32 $0x9200  }
0xc9: {  	s29 =	simm.s32 $0xA200;
	s30 =	simm.s32 $0xB200;
	s31 =	simm.s32 $0xC200  }
0xca: {  	s1 =	simm.s32 $0xD200;
	s0 =	simm.s32 $0xE200;
	s5 =	simm.s32 $0xF200  }
.LBB2_2:
0xcb: {  	[sflag:s17] =	ssyncadd.s32 $0xFFFFF000  }
0xcc: {  	_ =	swait.ge [sflag:s17], $0x1000  }
0xcd: {  	s19 =	rddreg [dreg:$0x7];
	[sflag:s17] =	ssyncset.done $0x0  }
0xce: {  	s20 =	rddreg [dreg:$0x5];
	[sflag:s17] =	ssyncadd.s32 $0xFFFFF000  }
0xcf: {  	[tilespmem:s3], [sflag:$0x12] =	stream.linear.gather [hbm4b:s20+s3], $0x200, $0x38;
	[tilespmem:$0x12148] =	vst v63  }
0xd0: {  	s6 =	simm.s32 @p0 $0x13;
	s21 =	rddreg [dreg:$0x19];
	s20 =	simm.s32 @p0 $0x1FD3  }
0xd1: {  	[spmem:s21], [sflag:s20] =	dma.local @p0 [hbm:s19], $0x290  }
0xd2: {  	_ =	swait.ge @p0 [sflag:s6], $0x290  }
0xd3: {  	s19 =	rddreg [dreg:$0x18]  }
0xd4: {  	[sflag:s6] =	ssyncset.done @p0 $0x0;
	s20 =	rddreg [dreg:$0x6]  }
0xd5: {  	s21 =	rddreg [dreg:$0x17];
	[sflag:s6] =	ssyncadd.s32 @p0 $0xFFFFFD70;
	s6 =	simm.s32 @!p0 $0x13  }
0xd6: {  	[spmem:s19], [sflag:s21] =	dma.local @!p0 [hbm:s20], $0x400  }
0xd7: {  	_ =	swait.ge @!p0 [sflag:s6], $0x400  }
0xd8: {  	[sflag:s6] =	ssyncset.done @!p0 $0x0  }
0xd9: {  	s21 =	simm.s32 $0x12;
	[sflag:s6] =	ssyncadd.s32 @!p0 $0xFFFFFC00  }
0xda: {  	_ =	swait.ge [sflag:s21], $0x200  }
0xdb: {  	[sflag:s21] =	ssyncset.done $0x0  }
0xdc: {  	[sflag:s21] =	ssyncadd.s32 $0xFFFFFE00  }
0xdd: {  	s21 =	simm.s32 $0x200;
	[bflag:$0x0] =	sbarrier.arrive $0xFFFF  }
0xde: {  	[tilespmem:s21], [sflag:$0x1] =	stream.indirect.gather [spmem:s2], $0x80, s3, s9, $0xb8;
	[tilespmem:$0x12148] =	vst v63  }
0xdf: {  	s6 =	rddreg [dreg:$0x1a]  }
0xe0: {  	[tilespmem:s23], [sflag:$0x2] =	stream.indirect.gather [spmem:s2], $0x80, s9, s9, $0xb8;
	[tilespmem:$0x12148] =	vst v63  }
0xe1: {  	s20 =	rddreg [dreg:$0x1b]  }
0xe2: {  	[tilespmem:s24], [sflag:$0x3] =	stream.indirect.gather [spmem:s2], $0x80, s6, s9, $0xb8;
	[tilespmem:$0x12148] =	vst v63  }
0xe3: {  	s19 =	rddreg [dreg:$0x1e]  }
0xe4: {  	[tilespmem:s25], [sflag:$0x4] =	stream.indirect.gather [spmem:s2], $0x80, s20, s9, $0xb8;
	[tilespmem:$0x12148] =	vst v63  }
0xe5: {  	s6 =	rddreg [dreg:$0x1c]  }
0xe6: {  	[tilespmem:s22], [sflag:$0x5] =	stream.indirect.gather [spmem:s2], $0x80, s6, s9, $0xb8;
	[tilespmem:$0x12148] =	vst v63  }
0xe7: {  	s20 =	rddreg [dreg:$0x1d];
	s6 =	simm.s32 $0x5200  }
0xe8: {  	[tilespmem:s6], [sflag:$0x6] =	stream.indirect.gather [spmem:s2], $0x80, s20, s9, $0xb8;
	[tilespmem:$0x12148] =	vst v63  }
0xe9: {  	s20 =	rddreg [dreg:$0x1f]  }
0xea: {  	[tilespmem:s7], [sflag:$0x7] =	stream.indirect.gather [spmem:s2], $0x80, s19, s9, $0xb8;
	[tilespmem:$0x12148] =	vst v63  }
0xeb: {  	s19 =	sld [smem:$0x7F5]  }
0xec: {  	[tilespmem:s8], [sflag:$0x8] =	stream.indirect.gather [spmem:s2], $0x80, s20, s9, $0xb8;
	[tilespmem:$0x12148] =	vst v63  }
0xed: {  	s20 =	sld [smem:$0x7F6]  }
0xee: {  	[tilespmem:s26], [sflag:$0x9] =	stream.indirect.gather [spmem:s2], $0x80, s19, s9, $0xb8;
	[tilespmem:$0x12148] =	vst v63  }
0xef: {  	s19 =	sld [smem:$0x7F7]  }
0xf0: {  	[tilespmem:s28], [sflag:$0xA] =	stream.indirect.gather [spmem:s2], $0x80, s20, s9, $0xb8;
	[tilespmem:$0x12148] =	vst v63  }
0xf1: {  	s20 =	sld [smem:$0x7F8]  }
0xf2: {  	[tilespmem:s29], [sflag:$0xB] =	stream.indirect.gather [spmem:s2], $0x80, s19, s9, $0xb8;
	[tilespmem:$0x12148] =	vst v63  }
0xf3: {  	s19 =	sld [smem:$0x7F9]  }
0xf4: {  	[tilespmem:s30], [sflag:$0xC] =	stream.indirect.gather [spmem:s2], $0x80, s20, s9, $0xb8;
	[tilespmem:$0x12148] =	vst v63  }
0xf5: {  	s20 =	sld [smem:$0x7FA]  }
0xf6: {  	[tilespmem:s31], [sflag:$0xD] =	stream.indirect.gather [spmem:s2], $0x80, s19, s9, $0xb8;
	[tilespmem:$0x12148] =	vst v63  }
0xf7: {  	s19 =	sld [smem:$0x7FB]  }
0xf8: {  	[tilespmem:s1], [sflag:$0xE] =	stream.indirect.gather [spmem:s2], $0x80, s20, s9, $0xb8;
	[tilespmem:$0x12148] =	vst v63  }
0xf9: {  	s20 =	sld [smem:$0x7FC]  }
0xfa: {  	[tilespmem:s0], [sflag:$0xF] =	stream.indirect.gather [spmem:s2], $0x80, s19, s9, $0xb8;
	[tilespmem:$0x12148] =	vst v63  }
0xfb: {  	_ = 	snop  }
0xfc: {  	[tilespmem:s5], [sflag:$0x10] =	stream.indirect.gather [spmem:s2], $0x80, s20, s9, $0xb8;
	[tilespmem:$0x12148] =	vst v63  }
0xfd: {  	s20 =	simm.s32 $0x1  }
0xfe: {  	_ =	swait.ge [sflag:s20], $0x1000  }
0xff: {  	[sflag:s20] =	ssyncset.done $0x0  }
0x100: {  	[sflag:s20] =	ssyncadd.s32 $0xFFFFF000;
	s20 =	sld [smem:$0x7FD];
	_ =	sdelay $0x1  }
0x101: {  	s19 =	simm.s32 $0x2  }
0x102: {  	[hbm4b:s20+s3] =	stream.linear.scatter [tilespmem:s21], [sflag:$0x11], $0x1000, $0x38;
	[tilespmem:$0x12148] =	vst v63  }
0x103: {  	_ =	swait.ge [sflag:s19], $0x1000  }
0x104: {  	[sflag:s19] =	ssyncset.done $0x0  }
0x105: {  	s21 =	rddreg [dreg:$0x8];
	[sflag:s19] =	ssyncadd.s32 $0xFFFFF000;
	s19 =	simm.s32 $0x3  }
0x106: {  	[hbm4b:s21+s3] =	stream.linear.scatter [tilespmem:s23], [sflag:$0x11], $0x1000, $0x38;
	[tilespmem:$0x12148] =	vst v63  }
0x107: {  	_ =	swait.ge [sflag:s19], $0x1000  }
0x108: {  	[sflag:s19] =	ssyncset.done $0x0  }
0x109: {  	s21 =	rddreg [dreg:$0x9];
	[sflag:s19] =	ssyncadd.s32 $0xFFFFF000;
	s19 =	simm.s32 $0x4  }
0x10a: {  	[hbm4b:s21+s3] =	stream.linear.scatter [tilespmem:s24], [sflag:$0x11], $0x1000, $0x38;
	[tilespmem:$0x12148] =	vst v63  }
0x10b: {  	_ =	swait.ge [sflag:s19], $0x1000  }
0x10c: {  	[sflag:s19] =	ssyncset.done $0x0  }
0x10d: {  	s21 =	rddreg [dreg:$0xa];
	[sflag:s19] =	ssyncadd.s32 $0xFFFFF000;
	s19 =	simm.s32 $0x5  }
0x10e: {  	[hbm4b:s21+s3] =	stream.linear.scatter [tilespmem:s25], [sflag:$0x11], $0x1000, $0x38;
	[tilespmem:$0x12148] =	vst v63  }
0x10f: {  	_ =	swait.ge [sflag:s19], $0x1000  }
0x110: {  	[sflag:s19] =	ssyncset.done $0x0  }
0x111: {  	s21 =	rddreg [dreg:$0xb];
	[sflag:s19] =	ssyncadd.s32 $0xFFFFF000;
	s19 =	simm.s32 $0x6  }
0x112: {  	[hbm4b:s21+s3] =	stream.linear.scatter [tilespmem:s22], [sflag:$0x11], $0x1000, $0x38;
	[tilespmem:$0x12148] =	vst v63  }
0x113: {  	_ =	swait.ge [sflag:s19], $0x1000  }
0x114: {  	[sflag:s19] =	ssyncset.done $0x0  }
0x115: {  	s20 =	simm.s32 $0x7;
	s21 =	rddreg [dreg:$0xc];
	[sflag:s19] =	ssyncadd.s32 $0xFFFFF000  }
0x116: {  	[hbm4b:s21+s3] =	stream.linear.scatter [tilespmem:s6], [sflag:$0x11], $0x1000, $0x38;
	[tilespmem:$0x12148] =	vst v63  }
0x117: {  	_ =	swait.ge [sflag:s20], $0x1000  }
0x118: {  	[sflag:s20] =	ssyncset.done $0x0  }
0x119: {  	s21 =	rddreg [dreg:$0xd];
	[sflag:s20] =	ssyncadd.s32 $0xFFFFF000;
	s20 =	simm.s32 $0x8  }
0x11a: {  	[hbm4b:s21+s3] =	stream.linear.scatter [tilespmem:s7], [sflag:$0x11], $0x1000, $0x38;
	[tilespmem:$0x12148] =	vst v63  }
0x11b: {  	_ =	swait.ge [sflag:s20], $0x1000  }
0x11c: {  	[sflag:s20] =	ssyncset.done $0x0  }
0x11d: {  	s21 =	rddreg [dreg:$0xe];
	[sflag:s20] =	ssyncadd.s32 $0xFFFFF000  }
0x11e: {  	[hbm4b:s21+s3] =	stream.linear.scatter [tilespmem:s8], [sflag:$0x11], $0x1000, $0x38;
	[tilespmem:$0x12148] =	vst v63  }
0x11f: {  	_ =	swait.ge [sflag:s4], $0x1000  }
0x120: {  	[sflag:s4] =	ssyncset.done $0x0  }
0x121: {  	s20 =	rddreg [dreg:$0xf];
	[sflag:s4] =	ssyncadd.s32 $0xFFFFF000  }
0x122: {  	[hbm4b:s20+s3] =	stream.linear.scatter [tilespmem:s26], [sflag:$0x11], $0x1000, $0x38;
	[tilespmem:$0x12148] =	vst v63  }
0x123: {  	_ =	swait.ge [sflag:s10], $0x1000  }
0x124: {  	[sflag:s10] =	ssyncset.done $0x0  }
0x125: {  	s21 =	rddreg [dreg:$0x10];
	[sflag:s10] =	ssyncadd.s32 $0xFFFFF000  }
0x126: {  	[hbm4b:s21+s3] =	stream.linear.scatter [tilespmem:s28], [sflag:$0x11], $0x1000, $0x38;
	[tilespmem:$0x12148] =	vst v63  }
0x127: {  	_ =	swait.ge [sflag:s11], $0x1000  }
0x128: {  	[sflag:s11] =	ssyncset.done $0x0  }
0x129: {  	s6 =	rddreg [dreg:$0x11];
	[sflag:s11] =	ssyncadd.s32 $0xFFFFF000  }
0x12a: {  	[hbm4b:s6+s3] =	stream.linear.scatter [tilespmem:s29], [sflag:$0x11], $0x1000, $0x38;
	[tilespmem:$0x12148] =	vst v63  }
0x12b: {  	_ =	swait.ge [sflag:s12], $0x1000  }
0x12c: {  	[sflag:s12] =	ssyncset.done $0x0  }
0x12d: {  	s20 =	rddreg [dreg:$0x12];
	[sflag:s12] =	ssyncadd.s32 $0xFFFFF000  }
0x12e: {  	[hbm4b:s20+s3] =	stream.linear.scatter [tilespmem:s30], [sflag:$0x11], $0x1000, $0x38;
	[tilespmem:$0x12148] =	vst v63  }
0x12f: {  	_ =	swait.ge [sflag:s13], $0x1000  }
0x130: {  	[sflag:s13] =	ssyncset.done $0x0  }
0x131: {  	s21 =	rddreg [dreg:$0x13];
	[sflag:s13] =	ssyncadd.s32 $0xFFFFF000  }
0x132: {  	[hbm4b:s21+s3] =	stream.linear.scatter [tilespmem:s31], [sflag:$0x11], $0x1000, $0x38;
	[tilespmem:$0x12148] =	vst v63  }
0x133: {  	_ =	swait.ge [sflag:s14], $0x1000  }
0x134: {  	[sflag:s14] =	ssyncset.done $0x0  }
0x135: {  	s6 =	rddreg [dreg:$0x14];
	[sflag:s14] =	ssyncadd.s32 $0xFFFFF000  }
0x136: {  	[hbm4b:s6+s3] =	stream.linear.scatter [tilespmem:s1], [sflag:$0x11], $0x1000, $0x38;
	[tilespmem:$0x12148] =	vst v63  }
0x137: {  	_ =	swait.ge [sflag:s15], $0x1000  }
0x138: {  	[sflag:s15] =	ssyncset.done $0x0  }
0x139: {  	s20 =	rddreg [dreg:$0x15];
	[sflag:s15] =	ssyncadd.s32 $0xFFFFF000  }
0x13a: {  	[hbm4b:s20+s3] =	stream.linear.scatter [tilespmem:s0], [sflag:$0x11], $0x1000, $0x38;
	[tilespmem:$0x12148] =	vst v63  }
0x13b: {  	_ =	swait.ge [sflag:s16], $0x1000  }
0x13c: {  	[sflag:s16] =	ssyncset.done $0x0  }
0x13d: {  	s21 =	rddreg [dreg:$0x16];
	[sflag:s16] =	ssyncadd.s32 $0xFFFFF000  }
0x13e: {  	[hbm4b:s21+s3] =	stream.linear.scatter [tilespmem:s5], [sflag:$0x11], $0x1000, $0x38;
	[tilespmem:$0x12148] =	vst v63  }
0x13f: {  	_ =	swait.ge [sflag:s17], $0x1000  }
0x140: {  	[sflag:s17] =	ssyncset.done $0x0  }
0x141: {  	[sflag:s17] =	ssyncadd.s32 $0xFFFFF000  }
0x142: {  	_ =	swait.ge [sflag:s17], $0x1000  }
0x143: {  	[sflag:s17] =	ssyncset.done $0x0  }
0x144: {  	[sflag:s17] =	ssyncadd.s32 $0xFFFFF000  }
0x145: {  	_ =	swait.ge [sflag:s17], $0x1000  }
0x146: {  	[sflag:s17] =	ssyncset.done $0x0  }
0x147: {  	[sflag:s17] =	ssyncadd.s32 $0xFFFFF000  }
0x148: {  	_ =	swait.ge [sflag:s17], $0x1000  }
0x149: {  	[sflag:s17] =	ssyncset.done $0x0  }
0x14a: {  	[sflag:s17] =	ssyncadd.s32 $0xFFFFF000  }
0x14b: {  	_ =	swait.ge [sflag:s17], $0x1000  }
0x14c: {  	[sflag:s17] =	ssyncset.done $0x0  }
0x14d: {  	[sflag:s17] =	ssyncadd.s32 $0xFFFFF000  }
0x14e: {  	_ =	swait.ge [sflag:s17], $0x1000  }
0x14f: {  	[sflag:s17] =	ssyncset.done $0x0  }
0x150: {  	[sflag:s17] =	ssyncadd.s32 $0xFFFFF000  }
0x151: {  	_ =	swait.ge [sflag:s17], $0x1000  }
0x152: {  	[sflag:s17] =	ssyncset.done $0x0  }
0x153: {  	[sflag:s17] =	ssyncadd.s32 $0xFFFFF000  }
0x154: {  	_ =	swait.ge [sflag:s17], $0x1000  }
0x155: {  	[sflag:s17] =	ssyncset.done $0x0  }
0x156: {  	[sflag:s17] =	ssyncadd.s32 $0xFFFFF000  }
0x157: {  	_ =	swait.ge [sflag:s17], $0x1000  }
0x158: {  	[sflag:s17] =	ssyncset.done $0x0  }
0x159: {  	[sflag:s17] =	ssyncadd.s32 $0xFFFFF000  }
0x15a: {  	_ =	swait.ge [sflag:s17], $0x1000  }
0x15b: {  	[sflag:s17] =	ssyncset.done $0x0  }
0x15c: {  	[sflag:s17] =	ssyncadd.s32 $0xFFFFF000  }
0x15d: {  	_ =	swait.ge [sflag:s17], $0x1000  }
0x15e: {  	[sflag:s17] =	ssyncset.done $0x0  }
0x15f: {  	[sflag:s17] =	ssyncadd.s32 $0xFFFFF000  }
0x160: {  	_ =	swait.ge [sflag:s17], $0x1000  }
0x161: {  	[sflag:s17] =	ssyncset.done $0x0  }
0x162: {  	[sflag:s17] =	ssyncadd.s32 $0xFFFFF000  }
0x163: {  	_ =	swait.ge [sflag:s17], $0x1000  }
0x164: {  	s18 =	sadd.s32 $0xFFFFFFFF, s18;
	[sflag:s17] =	ssyncset.done $0x0  }
0x165: {  	p1 =	sne.s32 s18, $0x0;
	[sflag:s17] =	ssyncadd.s32 $0xFFFFF000  }
.Ltmp1:
0x166: {  	_ =	swait.ge [sflag:s17], $0x1000;
	(pc) =	sbr.rel @p1 .LBB2_2-.Ltmp1, $4  }
0x167: {  	[sflag:s17] =	ssyncset.done $0x0  }
0x168: {  	[sflag:s17] =	ssyncadd.s32 $0xFFFFF000  }
0x169: {  	_ =	swait.ge [sflag:s17], $0x1000  }
0x16a: {  	[sflag:s17] =	ssyncset.done $0x0  }
.LBB2_3:
0x16b: {  	[sflag:s17] =	ssyncadd.s32 $0xFFFFF000  }
0x16c: {  	_ =	swait.ge [sflag:s17], $0x1000  }
0x16d: {  	[sflag:s17] =	ssyncset.done $0x0  }
0x16e: {  	[sflag:s17] =	ssyncadd.s32 $0xFFFFF000  }
0x16f: {  	_ =	sfence.sel $0x180000  }
0x170: {  	[bflag:$0x0] =	sbarrier.arrive $0xFFFF  }
0x171: {  	_ =	strace $0x90000047  }
0x172: {  	s0 =	stileid.u32;
	[bflag:$0x2] =	sbarrier.arrive $0xFFFF  }
0x173: {  	p0 =	sne.s32 s0, $0x0;
	s0 =	rddreg [dreg:$0x4]  }
0x174: {  	s0 =	sadd.s32 @!p0 $0x100000, s0  }
0x175: {  	[sflag:s0] =	ssyncadd.tile.s32 @!p0 $0x1;
	_ =	shalt  }
.Lfunc_end2:
_tile_overlayer_lowered:
.L_overlay_start_2:
0x176: {  	(tag) =	ssettag $0x2  }
0x177: {  	s0 =	rddreg [dreg:$0x0];
	s2 =	stileid.u32  }
0x178: {  	s1 =	rddreg [dreg:$0x1];
	p0 =	sne.s32 s2, $0x0  }
0x179: {  	s3 =	rddreg [dreg:$0x2];
	[bflag:$0x3] =	sbarrier.arrive $0xFFFF;
	s2 =	simm.s32 @!p0 $0x1C13  }
0x17a: {  	[timem:s3], [sflag:s2] =	dma.local @!p0 [hbm:s0], s1  }
0x17b: {  	s0 =	simm.s32 @!p0 $0x13  }
0x17c: {  	_ =	swait.ge @!p0 [sflag:s0], s1  }
0x17d: {  	s1 =	ssub.s32 @!p0 $0x0, s1;
	[sflag:s0] =	ssyncset.done @!p0 $0x0  }
0x17e: {  	[sflag:s0] =	ssyncadd.s32 @!p0 s1  }
0x17f: {  	[bflag:$0x3] =	sbarrier.arrive $0xFFFF  }
0x180: {  	_ =	shalt  }

</sc_bundles>
